<compile_context>
chip_gen: v7x
topology: tpu7x:2x2x1
jax: 0.10.2.dev20260603
libtpu: 0.0.44.dev20260713+nightly
codegen_flags: <defaults>
</compile_context>

<pallas_src>
import functools

import jax
import jax.numpy as jnp
from jax import lax
from jax.experimental import pallas as pl
from jax.experimental.pallas import tpu as pltpu
from jax.experimental.pallas import tpu_sc as plsc

N = 10000
NP = 10240
E = 320000
D = 128
ROWS_PER_SUB = NP // 16
EW = E // 32
CHUNK = 80
NCH = EW // CHUNK

_mesh = plsc.VectorSubcoreMesh(core_axis_name="c", subcore_axis_name="s")
_f32 = jnp.float32
_i32 = jnp.int32


NH = 128 * D


@functools.partial(
    pl.kernel,
    out_type=jax.ShapeDtypeStruct((2, 128, D), _i32),
    mesh=_mesh,
    compiler_params=pltpu.CompilerParams(needs_layout_passes=False),
    scratch_types=[
        pltpu.VMEM_SHARED((128, D), _i32),
        pltpu.VMEM((128, D), _i32),
        pltpu.VMEM((EW,), _i32),
        pltpu.VMEM((8, D), _i32),
        pltpu.VMEM((1, D), _i32),
    ],
)
def _deg_kernel(dst_hbm, out_hbm, hist_s, hist_v, dst_v, stage_v, iota_v):
    c = lax.axis_index("c")
    s = lax.axis_index("s")
    row0 = s * 8

    def zpriv(r, _):
        def zl(i, _):
            hist_v[r, pl.ds(i * 16, 16)] = jnp.zeros((16,), _i32)
            return 0

        lax.fori_loop(0, D // 16, zl, 0)
        return 0

    lax.fori_loop(0, 128, zpriv, 0)

    def zst(r, _):
        def zl(i, _):
            stage_v[r, pl.ds(i * 16, 16)] = jnp.zeros((16,), _i32)
            return 0

        lax.fori_loop(0, D // 16, zl, 0)
        return 0

    lax.fori_loop(0, 8, zst, 0)
    for i in range(D // 16):
        iota_v[0, pl.ds(i * 16, 16)] = lax.iota(_i32, 16) + (i * 16)
    pltpu.sync_copy(dst_hbm.at[c, s], dst_v)
    pltpu.sync_copy(stage_v, hist_s.at[pl.ds(row0, 8)])

    ones16 = jnp.ones((16,), _i32)

    def body(k, _):
        base = k * 32
        iv0 = dst_v[pl.ds(base, 16)]
        iv1 = dst_v[pl.ds(base + 16, 16)]
        plsc.addupdate_scatter(hist_v, [iv0 >> 7, iv0 & 127], ones16)
        plsc.addupdate_scatter(hist_v, [iv1 >> 7, iv1 & 127], ones16)
        return 0

    lax.fori_loop(0, EW // 32, body, 0)
    ivt = dst_v[pl.ds(EW - 16, 16)]
    plsc.addupdate_scatter(hist_v, [ivt >> 7, ivt & 127], ones16)
    plsc.subcore_barrier()
    pltpu.sync_copy(hist_v, hist_s.at[iota_v.at[0]], add=True)
    plsc.subcore_barrier()
    pltpu.sync_copy(hist_s.at[pl.ds(row0, 8)], stage_v)
    pltpu.sync_copy(stage_v, out_hbm.at[c, pl.ds(row0, 8)])


@functools.partial(
    pl.kernel,
    out_type=jax.ShapeDtypeStruct((2, NP, D), _f32),
    mesh=_mesh,
    compiler_params=pltpu.CompilerParams(needs_layout_passes=False),
    scratch_types=[
        pltpu.VMEM_SHARED((NP, D), _f32),
        pltpu.VMEM((EW,), _i32),
        pltpu.VMEM((NCH, CHUNK), _i32),
        pltpu.VMEM((CHUNK, D), _f32),
        pltpu.VMEM((CHUNK, D), _f32),
        pltpu.SemaphoreType.DMA,
        pltpu.SemaphoreType.DMA,
    ],
)
def _agg_kernel(g_hbm, src_hbm, dst_hbm, out_hbm, acc, src_v, dst_v, rows0, rows1, sem0, sem1):
    c = lax.axis_index("c")
    s = lax.axis_index("s")
    row0 = s * ROWS_PER_SUB

    pltpu.sync_copy(g_hbm.at[pl.ds(row0, ROWS_PER_SUB)], acc.at[pl.ds(row0, ROWS_PER_SUB)])
    plsc.subcore_barrier()

    pltpu.sync_copy(src_hbm.at[c, s], src_v)
    pltpu.sync_copy(dst_hbm.at[c, s], dst_v)

    pltpu.async_copy(g_hbm.at[src_v.at[pl.ds(0, CHUNK)]], rows0, sem0)

    def body(i, _):
        j = 2 * i
        pltpu.async_copy(g_hbm.at[src_v.at[pl.ds((j + 1) * CHUNK, CHUNK)]], rows1, sem1)
        pltpu.make_async_copy(g_hbm.at[src_v.at[pl.ds(j * CHUNK, CHUNK)]], rows0, sem0).wait()
        pltpu.sync_copy(rows0, acc.at[dst_v.at[j]], add=True)
        pltpu.async_copy(g_hbm.at[src_v.at[pl.ds((j + 2) * CHUNK, CHUNK)]], rows0, sem0)
        pltpu.make_async_copy(g_hbm.at[src_v.at[pl.ds((j + 1) * CHUNK, CHUNK)]], rows1, sem1).wait()
        pltpu.sync_copy(rows1, acc.at[dst_v.at[j + 1]], add=True)
        return 0

    lax.fori_loop(0, (NCH - 1) // 2, body, 0)
    jt = NCH - 1
    pltpu.make_async_copy(g_hbm.at[src_v.at[pl.ds(jt * CHUNK, CHUNK)]], rows0, sem0).wait()
    pltpu.sync_copy(rows0, acc.at[dst_v.at[jt]], add=True)

    plsc.subcore_barrier()
    pltpu.sync_copy(
        acc.at[pl.ds(row0, ROWS_PER_SUB)], out_hbm.at[c, pl.ds(row0, ROWS_PER_SUB)]
    )


@functools.partial(
    pl.kernel,
    out_type=jax.ShapeDtypeStruct((2, 2, 128, D), _f32),
    mesh=_mesh,
    compiler_params=pltpu.CompilerParams(needs_layout_passes=False),
    scratch_types=[
        pltpu.VMEM_SHARED((2, 128, D), _f32),
        pltpu.VMEM((NP,), _f32),
        pltpu.VMEM((NP,), _f32),
        pltpu.VMEM((128, D), _f32),
        pltpu.VMEM((128, D), _f32),
        pltpu.VMEM((EW,), _i32),
        pltpu.VMEM((EW,), _i32),
        pltpu.VMEM((8, D), _f32),
        pltpu.VMEM((1, D), _i32),
    ],
)
def _agg2_kernel(g2a_hbm, g2b_hbm, src_hbm, dst_hbm, out_hbm,
                 acc_s, ta_v, tb_v, a0_v, a1_v, src_v, dst_v, stage_v, iota_v):
    c = lax.axis_index("c")
    s = lax.axis_index("s")
    row0 = s * 8

    pltpu.sync_copy(g2a_hbm, ta_v)
    pltpu.sync_copy(g2b_hbm, tb_v)
    pltpu.sync_copy(src_hbm.at[c, s], src_v)
    pltpu.sync_copy(dst_hbm.at[c, s], dst_v)
    def zpriv(r, _):
        def zl(i, _):
            a0_v[r, pl.ds(i * 16, 16)] = jnp.zeros((16,), _f32)
            a1_v[r, pl.ds(i * 16, 16)] = jnp.zeros((16,), _f32)
            return 0

        lax.fori_loop(0, D // 16, zl, 0)
        return 0

    lax.fori_loop(0, 128, zpriv, 0)

    def zst(r, _):
        def zl(i, _):
            stage_v[r, pl.ds(i * 16, 16)] = jnp.zeros((16,), _f32)
            return 0

        lax.fori_loop(0, D // 16, zl, 0)
        return 0

    lax.fori_loop(0, 8, zst, 0)
    for i in range(D // 16):
        iota_v[0, pl.ds(i * 16, 16)] = lax.iota(_i32, 16) + (i * 16)
    pltpu.sync_copy(stage_v, acc_s.at[0, pl.ds(row0, 8)])
    pltpu.sync_copy(stage_v, acc_s.at[1, pl.ds(row0, 8)])

    def do16(base):
        sl = pl.ds(base, 16)
        si = src_v[sl]
        di = dst_v[sl]
        r, col = di >> 7, di & 127
        plsc.addupdate_scatter(a0_v, [r, col], plsc.load_gather(ta_v, [si]))
        plsc.addupdate_scatter(a1_v, [r, col], plsc.load_gather(tb_v, [si]))

    def body(k, _):
        do16(k * 32)
        do16(k * 32 + 16)
        return 0

    lax.fori_loop(0, EW // 32, body, 0)
    do16(EW - 16)
    plsc.subcore_barrier()
    pltpu.sync_copy(a0_v, acc_s.at[0].at[iota_v.at[0]], add=True)
    pltpu.sync_copy(a1_v, acc_s.at[1].at[iota_v.at[0]], add=True)
    plsc.subcore_barrier()
    pltpu.sync_copy(acc_s.at[0, pl.ds(row0, 8)], stage_v)
    pltpu.sync_copy(stage_v, out_hbm.at[c, 0, pl.ds(row0, 8)])
    pltpu.sync_copy(acc_s.at[1, pl.ds(row0, 8)], stage_v)
    pltpu.sync_copy(stage_v, out_hbm.at[c, 1, pl.ds(row0, 8)])


def _b_body(x_ref, w1_ref, hist_ref, g_ref, ds_ref):
    deg = (hist_ref[0, :, 0] + hist_ref[1, :, 0] + 1).astype(_f32)
    ds = lax.rsqrt(deg)[:, None]
    h = jnp.dot(x_ref[...], w1_ref[...], preferred_element_type=_f32)
    g_ref[pl.ds(0, N)] = h * ds[:N]
    g_ref[pl.ds(N, NP - N)] = jnp.zeros((NP - N, D), _f32)
    ds_ref[...] = ds


def _d_body(e_ref, g_ref, ds_ref, b1_ref, w2_ref, g2a_ref, g2b_ref):
    ds = ds_ref[...]
    scat = e_ref[0] + e_ref[1] - g_ref[...]
    x1 = jnp.maximum(scat * ds + b1_ref[...], 0.0)
    p = jnp.dot(x1, w2_ref[...], preferred_element_type=_f32)
    g2a_ref[...] = p[:, :1] * ds
    g2b_ref[...] = p[:, 1:2] * ds


def _f_body(e_ref, g2a_ref, g2b_ref, ds_ref, b2_ref, la_ref, lb_ref):
    ds = ds_ref[...]
    o0 = ds * (e_ref[0, 0] + e_ref[1, 0] + g2a_ref[...]) + b2_ref[0]
    o1 = ds * (e_ref[0, 1] + e_ref[1, 1] + g2b_ref[...]) + b2_ref[1]
    m = jnp.maximum(o0, o1)
    z = m + jnp.log(jnp.exp(o0 - m) + jnp.exp(o1 - m))
    la_ref[...] = o0 - z
    lb_ref[...] = o1 - z


def kernel(x, edge_index, W1, b1, W2, b2):
    f32 = _f32
    src = edge_index[0].astype(_i32)
    dst = edge_index[1].astype(_i32)
    srcf = src.reshape(2, 16, EW)
    dstf = dst.reshape(2, 16, EW)
    dstw = dst.reshape(2, 16, NCH, CHUNK)
    w2p = jnp.zeros((D, D), f32).at[:, :2].set(W2)
    b1r = b1.reshape(1, D)

    hist = _deg_kernel(dstf)
    hist3 = hist.reshape(2, NH)[:, :NP].reshape(2, NP, 1)

    g, dsv = pl.pallas_call(
        _b_body,
        grid=(1,),
        in_specs=[
            pl.BlockSpec((N, D), lambda i: (0, 0)),
            pl.BlockSpec((D, D), lambda i: (0, 0)),
            pl.BlockSpec((2, NP, 1), lambda i: (0, 0, 0)),
        ],
        out_specs=[
            pl.BlockSpec((NP, D), lambda i: (0, 0)),
            pl.BlockSpec((NP, 1), lambda i: (0, 0)),
        ],
        out_shape=[
            jax.ShapeDtypeStruct((NP, D), f32),
            jax.ShapeDtypeStruct((NP, 1), f32),
        ],
    )(x, W1, hist3)

    S2c = _agg_kernel(g, srcf, dstw)

    g2a, g2b = pl.pallas_call(
        _d_body,
        grid=(1,),
        in_specs=[
            pl.BlockSpec((2, NP, D), lambda i: (0, 0, 0)),
            pl.BlockSpec((NP, D), lambda i: (0, 0)),
            pl.BlockSpec((NP, 1), lambda i: (0, 0)),
            pl.BlockSpec((1, D), lambda i: (0, 0)),
            pl.BlockSpec((D, D), lambda i: (0, 0)),
        ],
        out_specs=[
            pl.BlockSpec((NP, 1), lambda i: (0, 0)),
            pl.BlockSpec((NP, 1), lambda i: (0, 0)),
        ],
        out_shape=[
            jax.ShapeDtypeStruct((NP, 1), f32),
            jax.ShapeDtypeStruct((NP, 1), f32),
        ],
    )(S2c, g, dsv, b1r, w2p)

    e2 = _agg2_kernel(g2a.reshape(NP), g2b.reshape(NP), srcf, dstf)
    e2 = e2.reshape(2, 2, NH)[:, :, :NP]

    rows2 = NP // D
    lsa, lsb = pl.pallas_call(
        _f_body,
        grid=(1,),
        in_specs=[
            pl.BlockSpec((2, 2, rows2, D), lambda i: (0, 0, 0, 0)),
            pl.BlockSpec((rows2, D), lambda i: (0, 0)),
            pl.BlockSpec((rows2, D), lambda i: (0, 0)),
            pl.BlockSpec((rows2, D), lambda i: (0, 0)),
            pl.BlockSpec(memory_space=pltpu.SMEM),
        ],
        out_specs=[
            pl.BlockSpec((rows2, D), lambda i: (0, 0)),
            pl.BlockSpec((rows2, D), lambda i: (0, 0)),
        ],
        out_shape=[
            jax.ShapeDtypeStruct((rows2, D), f32),
            jax.ShapeDtypeStruct((rows2, D), f32),
        ],
    )(
        e2.reshape(2, 2, rows2, D),
        g2a.reshape(rows2, D),
        g2b.reshape(rows2, D),
        dsv.reshape(rows2, D),
        b2,
    )

    return jnp.stack([lsa.reshape(NP), lsb.reshape(NP)], axis=1)[:N]

# --- scband reference (transcript-rebuilt; emitter-appended) ---
"""Pipeline reference for scband-simple-gnn-45758581571801 (READ-ONLY COPY).

The authoritative reference and input builder live on the scoring server;
editing this copy changes nothing except your own understanding.
"""

import jax, jax.numpy as jnp
import numpy as np

N_NODES = 10000
N_EDGES = 320000
D_IN = 128
D_HID = 128
D_OUT = 2


def gcn_conv(x, edge_index, W, b):
    # Faithful GCNConv: add self-loops, symmetric degree normalization,
    # linear transform, scatter-add aggregation, bias.
    N = x.shape[0]
    loop = jnp.arange(N, dtype=edge_index.dtype)
    src = jnp.concatenate([edge_index[0], loop])
    dst = jnp.concatenate([edge_index[1], loop])
    deg = jnp.zeros((N,), dtype=x.dtype).at[dst].add(1.0)
    deg_inv_sqrt = 1.0 / jnp.sqrt(deg)  # deg >= 1 due to self-loops
    norm = deg_inv_sqrt[src] * deg_inv_sqrt[dst]
    h = x @ W
    msg = h[src] * norm[:, None]
    out = jnp.zeros((N, W.shape[1]), dtype=x.dtype).at[dst].add(msg)
    return out + b


def setup_inputs(seed: int = 0) -> dict:
    key = jax.random.key(seed)
    k1, k2, k3, k4, k5, k6 = jax.random.split(key, 6)
    x = jax.random.normal(k1, (N_NODES, D_IN), dtype=jnp.float32)
    edge_index = jax.random.randint(k2, (2, N_EDGES), 0, N_NODES, dtype=jnp.int32)
    W1 = jax.random.normal(k3, (D_IN, D_HID), dtype=jnp.float32) * (1.0 / np.sqrt(D_IN))
    b1 = jnp.zeros((D_HID,), dtype=jnp.float32)
    W2 = jax.random.normal(k4, (D_HID, D_OUT), dtype=jnp.float32) * (1.0 / np.sqrt(D_HID))
    b2 = jnp.zeros((D_OUT,), dtype=jnp.float32)
    return {"x": x, "edge_index": edge_index, "W1": W1, "b1": b1, "W2": W2, "b2": b2}


def reference(x, edge_index, W1, b1, W2, b2):
    h = jax.nn.relu(gcn_conv(x, edge_index, W1, b1))
    # dropout(p=0.4, training=self.training): eval mode -> identity
    h = gcn_conv(h, edge_index, W2, b2)
    return jax.nn.log_softmax(h, axis=1)

if __name__ == "__main__":
    import jax
    _d = setup_inputs()
    print(jax.jit(kernel)(*tuple(_d.values())))

</pallas_src>

<mosaic_0001>
#map = affine_map<(d0, d1) -> (0, 0, 0)>
module attributes {stable_mosaic.version = 14 : i64} {
  func.func @_deg_kernel(%arg0: i32, %arg1: i32, %arg2: memref<2x16x10000xi32, #tpu.memory_space<hbm>>, %arg3: memref<2x128x128xi32, #tpu.memory_space<hbm>>, %arg4: memref<128x128xi32, #tpu.memory_space<vmem_shared>>, %arg5: memref<128x128xi32, #tpu.memory_space<vmem>>, %arg6: memref<10000xi32, #tpu.memory_space<vmem>>, %arg7: memref<8x128xi32, #tpu.memory_space<vmem>>, %arg8: memref<1x128xi32, #tpu.memory_space<vmem>>) attributes {dimension_semantics = [#tpu.dimension_semantics<core_parallel>, #tpu.dimension_semantics<subcore_parallel>], iteration_bounds = array<i64: 2, 16>, scalar_prefetch = 0 : i64, scratch_operands = 5 : i64, tpu.core_type = #tpu.core_type<sc_vector_subcore>, window_params = [{transform_indices = #map}, {transform_indices = #map}]} {
    %mul3A = arith.constant 8 : i32
    %mul3A_0 = arith.muli %arg1, %mul3A : i32
    %scan3A = arith.constant 0 : i32
    %scan3A_1 = arith.constant 0 : i32
    %scan3A_2 = arith.constant 128 : i32
    %scan3A_3 = arith.addi %scan3A_1, %scan3A_2 : i32
    %scan3A_4 = arith.constant 1 : i32
    %scan3A_5 = scf.for %scan3A_89 = %scan3A_1 to %scan3A_3 step %scan3A_4 iter_args(%scan3A_90 = %scan3A) -> (i32)  : i32 {
      %scan3A_91 = arith.constant 0 : i32
      %scan3A_92 = arith.constant 0 : i32
      %scan3A_93 = arith.constant 8 : i32
      %scan3A_94 = arith.addi %scan3A_92, %scan3A_93 : i32
      %scan3A_95 = arith.constant 1 : i32
      %scan3A_96 = scf.for %scan3A_99 = %scan3A_92 to %scan3A_94 step %scan3A_95 iter_args(%scan3A_100 = %scan3A_91) -> (i32)  : i32 {
        %broadcast_in_dim3A_101 = arith.constant 0 : i32
        %broadcast_in_dim3A_102 = vector.broadcast %broadcast_in_dim3A_101 : i32 to vector<16xi32>
        %mul3A_103 = arith.constant 16 : i32
        %mul3A_104 = arith.muli %scan3A_99, %mul3A_103 : i32
        %swap3A_105 = arith.index_cast %scan3A_89 : i32 to index
        %swap3A_106 = arith.index_cast %mul3A_104 : i32 to index
        %swap3A_107 = tpu.vector_load %arg5[%swap3A_105, %swap3A_106] {strides = array<i32>} : memref<128x128xi32, #tpu.memory_space<vmem>>, vector<16xi32>,
        tpu.vector_store %arg5[%swap3A_105, %swap3A_106], %broadcast_in_dim3A_102 {strides = array<i32>} : memref<128x128xi32, #tpu.memory_space<vmem>>, vector<16xi32>,
        %scan3A_108 = arith.constant 0 : i32
        scf.yield %scan3A_108 : i32
      }
      %scan3A_97 = arith.constant 8 : i32
      %scan3A_98 = arith.constant 0 : i32
      scf.yield %scan3A_98 : i32
    }
    %scan3A_6 = arith.constant 128 : i32
    %scan3A_7 = arith.constant 0 : i32
    %scan3A_8 = arith.constant 0 : i32
    %scan3A_9 = arith.constant 8 : i32
    %scan3A_10 = arith.addi %scan3A_8, %scan3A_9 : i32
    %scan3A_11 = arith.constant 1 : i32
    %scan3A_12 = scf.for %scan3A_89 = %scan3A_8 to %scan3A_10 step %scan3A_11 iter_args(%scan3A_90 = %scan3A_7) -> (i32)  : i32 {
      %scan3A_91 = arith.constant 0 : i32
      %scan3A_92 = arith.constant 0 : i32
      %scan3A_93 = arith.constant 8 : i32
      %scan3A_94 = arith.addi %scan3A_92, %scan3A_93 : i32
      %scan3A_95 = arith.constant 1 : i32
      %scan3A_96 = scf.for %scan3A_99 = %scan3A_92 to %scan3A_94 step %scan3A_95 iter_args(%scan3A_100 = %scan3A_91) -> (i32)  : i32 {
        %broadcast_in_dim3A_101 = arith.constant 0 : i32
        %broadcast_in_dim3A_102 = vector.broadcast %broadcast_in_dim3A_101 : i32 to vector<16xi32>
        %mul3A_103 = arith.constant 16 : i32
        %mul3A_104 = arith.muli %scan3A_99, %mul3A_103 : i32
        %swap3A_105 = arith.index_cast %scan3A_89 : i32 to index
        %swap3A_106 = arith.index_cast %mul3A_104 : i32 to index
        %swap3A_107 = tpu.vector_load %arg7[%swap3A_105, %swap3A_106] {strides = array<i32>} : memref<8x128xi32, #tpu.memory_space<vmem>>, vector<16xi32>,
        tpu.vector_store %arg7[%swap3A_105, %swap3A_106], %broadcast_in_dim3A_102 {strides = array<i32>} : memref<8x128xi32, #tpu.memory_space<vmem>>, vector<16xi32>,
        %scan3A_108 = arith.constant 0 : i32
        scf.yield %scan3A_108 : i32
      }
      %scan3A_97 = arith.constant 8 : i32
      %scan3A_98 = arith.constant 0 : i32
      scf.yield %scan3A_98 : i32
    }
    %scan3A_13 = arith.constant 8 : i32
    %iota3A = tpu.iota {dimensions = array<i32: 0>} : vector<16xi32>
    %add3A = arith.constant 0 : i32
    %add3A_14 = vector.broadcast %add3A : i32 to vector<16xi32>
    %add3A_15 = arith.addi %iota3A, %add3A_14 : vector<16xi32>
    %swap3A = arith.constant 0 : i32
    %swap3A_16 = arith.index_cast %swap3A : i32 to index
    %swap3A_17 = arith.constant 0 : index
    %swap3A_18 = tpu.vector_load %arg8[%swap3A_16, %swap3A_17] {strides = array<i32>} : memref<1x128xi32, #tpu.memory_space<vmem>>, vector<16xi32>,
    tpu.vector_store %arg8[%swap3A_16, %swap3A_17], %add3A_15 {strides = array<i32>} : memref<1x128xi32, #tpu.memory_space<vmem>>, vector<16xi32>,
    %iota3A_19 = tpu.iota {dimensions = array<i32: 0>} : vector<16xi32>
    %add3A_20 = arith.constant 16 : i32
    %add3A_21 = vector.broadcast %add3A_20 : i32 to vector<16xi32>
    %add3A_22 = arith.addi %iota3A_19, %add3A_21 : vector<16xi32>
    %swap3A_23 = arith.constant 0 : i32
    %swap3A_24 = arith.index_cast %swap3A_23 : i32 to index
    %swap3A_25 = arith.constant 16 : index
    %swap3A_26 = tpu.vector_load %arg8[%swap3A_24, %swap3A_25] {strides = array<i32>} : memref<1x128xi32, #tpu.memory_space<vmem>>, vector<16xi32>,
    tpu.vector_store %arg8[%swap3A_24, %swap3A_25], %add3A_22 {strides = array<i32>} : memref<1x128xi32, #tpu.memory_space<vmem>>, vector<16xi32>,
    %iota3A_27 = tpu.iota {dimensions = array<i32: 0>} : vector<16xi32>
    %add3A_28 = arith.constant 32 : i32
    %add3A_29 = vector.broadcast %add3A_28 : i32 to vector<16xi32>
    %add3A_30 = arith.addi %iota3A_27, %add3A_29 : vector<16xi32>
    %swap3A_31 = arith.constant 0 : i32
    %swap3A_32 = arith.index_cast %swap3A_31 : i32 to index
    %swap3A_33 = arith.constant 32 : index
    %swap3A_34 = tpu.vector_load %arg8[%swap3A_32, %swap3A_33] {strides = array<i32>} : memref<1x128xi32, #tpu.memory_space<vmem>>, vector<16xi32>,
    tpu.vector_store %arg8[%swap3A_32, %swap3A_33], %add3A_30 {strides = array<i32>} : memref<1x128xi32, #tpu.memory_space<vmem>>, vector<16xi32>,
    %iota3A_35 = tpu.iota {dimensions = array<i32: 0>} : vector<16xi32>
    %add3A_36 = arith.constant 48 : i32
    %add3A_37 = vector.broadcast %add3A_36 : i32 to vector<16xi32>
    %add3A_38 = arith.addi %iota3A_35, %add3A_37 : vector<16xi32>
    %swap3A_39 = arith.constant 0 : i32
    %swap3A_40 = arith.index_cast %swap3A_39 : i32 to index
    %swap3A_41 = arith.constant 48 : index
    %swap3A_42 = tpu.vector_load %arg8[%swap3A_40, %swap3A_41] {strides = array<i32>} : memref<1x128xi32, #tpu.memory_space<vmem>>, vector<16xi32>,
    tpu.vector_store %arg8[%swap3A_40, %swap3A_41], %add3A_38 {strides = array<i32>} : memref<1x128xi32, #tpu.memory_space<vmem>>, vector<16xi32>,
    %iota3A_43 = tpu.iota {dimensions = array<i32: 0>} : vector<16xi32>
    %add3A_44 = arith.constant 64 : i32
    %add3A_45 = vector.broadcast %add3A_44 : i32 to vector<16xi32>
    %add3A_46 = arith.addi %iota3A_43, %add3A_45 : vector<16xi32>
    %swap3A_47 = arith.constant 0 : i32
    %swap3A_48 = arith.index_cast %swap3A_47 : i32 to index
    %swap3A_49 = arith.constant 64 : index
    %swap3A_50 = tpu.vector_load %arg8[%swap3A_48, %swap3A_49] {strides = array<i32>} : memref<1x128xi32, #tpu.memory_space<vmem>>, vector<16xi32>,
    tpu.vector_store %arg8[%swap3A_48, %swap3A_49], %add3A_46 {strides = array<i32>} : memref<1x128xi32, #tpu.memory_space<vmem>>, vector<16xi32>,
    %iota3A_51 = tpu.iota {dimensions = array<i32: 0>} : vector<16xi32>
    %add3A_52 = arith.constant 80 : i32
    %add3A_53 = vector.broadcast %add3A_52 : i32 to vector<16xi32>
    %add3A_54 = arith.addi %iota3A_51, %add3A_53 : vector<16xi32>
    %swap3A_55 = arith.constant 0 : i32
    %swap3A_56 = arith.index_cast %swap3A_55 : i32 to index
    %swap3A_57 = arith.constant 80 : index
    %swap3A_58 = tpu.vector_load %arg8[%swap3A_56, %swap3A_57] {strides = array<i32>} : memref<1x128xi32, #tpu.memory_space<vmem>>, vector<16xi32>,
    tpu.vector_store %arg8[%swap3A_56, %swap3A_57], %add3A_54 {strides = array<i32>} : memref<1x128xi32, #tpu.memory_space<vmem>>, vector<16xi32>,
    %iota3A_59 = tpu.iota {dimensions = array<i32: 0>} : vector<16xi32>
    %add3A_60 = arith.constant 96 : i32
    %add3A_61 = vector.broadcast %add3A_60 : i32 to vector<16xi32>
    %add3A_62 = arith.addi %iota3A_59, %add3A_61 : vector<16xi32>
    %swap3A_63 = arith.constant 0 : i32
    %swap3A_64 = arith.index_cast %swap3A_63 : i32 to index
    %swap3A_65 = arith.constant 96 : index
    %swap3A_66 = tpu.vector_load %arg8[%swap3A_64, %swap3A_65] {strides = array<i32>} : memref<1x128xi32, #tpu.memory_space<vmem>>, vector<16xi32>,
    tpu.vector_store %arg8[%swap3A_64, %swap3A_65], %add3A_62 {strides = array<i32>} : memref<1x128xi32, #tpu.memory_space<vmem>>, vector<16xi32>,
    %iota3A_67 = tpu.iota {dimensions = array<i32: 0>} : vector<16xi32>
    %add3A_68 = arith.constant 112 : i32
    %add3A_69 = vector.broadcast %add3A_68 : i32 to vector<16xi32>
    %add3A_70 = arith.addi %iota3A_67, %add3A_69 : vector<16xi32>
    %swap3A_71 = arith.constant 0 : i32
    %swap3A_72 = arith.index_cast %swap3A_71 : i32 to index
    %swap3A_73 = arith.constant 112 : index
    %swap3A_74 = tpu.vector_load %arg8[%swap3A_72, %swap3A_73] {strides = array<i32>} : memref<1x128xi32, #tpu.memory_space<vmem>>, vector<16xi32>,
    tpu.vector_store %arg8[%swap3A_72, %swap3A_73], %add3A_70 {strides = array<i32>} : memref<1x128xi32, #tpu.memory_space<vmem>>, vector<16xi32>,
    "tpu.region"() ({
      %run_scoped3A_89 = tpu.sem_alloc : memref<!tpu.dma_semaphore, #tpu.memory_space<semaphore_mem>>
      %dma_start3A = arith.constant 0 : i32
      %dma_start3A_90 = tpu.memref_slice %arg2[%arg0, %arg1, %dma_start3A] : memref<2x16x10000xi32, #tpu.memory_space<hbm>> -> memref<1x1x10000xi32, #tpu.memory_space<hbm>>
      %dma_start3A_91 = tpu.memref_squeeze %dma_start3A_90 : memref<1x1x10000xi32, #tpu.memory_space<hbm>> -> memref<10000xi32, #tpu.memory_space<hbm>>
      %dma_start3A_92 = arith.constant 0 : i32
      %dma_start3A_93 = tpu.memref_slice %arg2[%arg0, %arg1, %dma_start3A_92] : memref<2x16x10000xi32, #tpu.memory_space<hbm>> -> memref<1x1x10000xi32, #tpu.memory_space<hbm>>
      %dma_start3A_94 = tpu.memref_squeeze %dma_start3A_93 : memref<1x1x10000xi32, #tpu.memory_space<hbm>> -> memref<10000xi32, #tpu.memory_space<hbm>>
      tpu.enqueue_dma source(%dma_start3A_94 : memref<10000xi32, #tpu.memory_space<hbm>>) target(%arg6 : memref<10000xi32, #tpu.memory_space<vmem>>) target_semaphore(%run_scoped3A_89 : memref<!tpu.dma_semaphore, #tpu.memory_space<semaphore_mem>>)
      %dma_wait3A = arith.constant 0 : i32
      %dma_wait3A_95 = tpu.memref_slice %arg2[%arg0, %arg1, %dma_wait3A] : memref<2x16x10000xi32, #tpu.memory_space<hbm>> -> memref<1x1x10000xi32, #tpu.memory_space<hbm>>
      %dma_wait3A_96 = tpu.memref_squeeze %dma_wait3A_95 : memref<1x1x10000xi32, #tpu.memory_space<hbm>> -> memref<10000xi32, #tpu.memory_space<hbm>>
      %dma_wait3A_97 = arith.constant 0 : i32
      %dma_wait3A_98 = tpu.memref_slice %arg2[%arg0, %arg1, %dma_wait3A_97] : memref<2x16x10000xi32, #tpu.memory_space<hbm>> -> memref<1x1x10000xi32, #tpu.memory_space<hbm>>
      %dma_wait3A_99 = tpu.memref_squeeze %dma_wait3A_98 : memref<1x1x10000xi32, #tpu.memory_space<hbm>> -> memref<10000xi32, #tpu.memory_space<hbm>>
      tpu.wait_dma2 semaphore(%run_scoped3A_89 : memref<!tpu.dma_semaphore, #tpu.memory_space<semaphore_mem>>) src(%dma_wait3A_99 : memref<10000xi32, #tpu.memory_space<hbm>>) dst(%arg6 : memref<10000xi32, #tpu.memory_space<vmem>>)
      tpu.yield
    }) : () -> ()
    "tpu.region"() ({
      %run_scoped3A_89 = tpu.sem_alloc : memref<!tpu.dma_semaphore, #tpu.memory_space<semaphore_mem>>
      %dma_start3A = arith.constant 0 : i32
      %dma_start3A_90 = tpu.memref_slice %arg4[%mul3A_0, %dma_start3A] : memref<128x128xi32, #tpu.memory_space<vmem_shared>> -> memref<8x128xi32, #tpu.memory_space<vmem_shared>>
      %dma_start3A_91 = arith.constant 0 : i32
      %dma_start3A_92 = tpu.memref_slice %arg4[%mul3A_0, %dma_start3A_91] : memref<128x128xi32, #tpu.memory_space<vmem_shared>> -> memref<8x128xi32, #tpu.memory_space<vmem_shared>>
      tpu.enqueue_dma source(%arg7 : memref<8x128xi32, #tpu.memory_space<vmem>>) target(%dma_start3A_92 : memref<8x128xi32, #tpu.memory_space<vmem_shared>>) target_semaphore(%run_scoped3A_89 : memref<!tpu.dma_semaphore, #tpu.memory_space<semaphore_mem>>)
      %dma_wait3A = arith.constant 0 : i32
      %dma_wait3A_93 = tpu.memref_slice %arg4[%mul3A_0, %dma_wait3A] : memref<128x128xi32, #tpu.memory_space<vmem_shared>> -> memref<8x128xi32, #tpu.memory_space<vmem_shared>>
      %dma_wait3A_94 = arith.constant 0 : i32
      %dma_wait3A_95 = tpu.memref_slice %arg4[%mul3A_0, %dma_wait3A_94] : memref<128x128xi32, #tpu.memory_space<vmem_shared>> -> memref<8x128xi32, #tpu.memory_space<vmem_shared>>
      tpu.wait_dma2 semaphore(%run_scoped3A_89 : memref<!tpu.dma_semaphore, #tpu.memory_space<semaphore_mem>>) src(%arg7 : memref<8x128xi32, #tpu.memory_space<vmem>>) dst(%dma_wait3A_95 : memref<8x128xi32, #tpu.memory_space<vmem_shared>>)
      tpu.yield
    }) : () -> ()
    %broadcast_in_dim3A = arith.constant 1 : i32
    %broadcast_in_dim3A_75 = vector.broadcast %broadcast_in_dim3A : i32 to vector<16xi32>
    %scan3A_76 = arith.constant 0 : i32
    %scan3A_77 = arith.constant 0 : i32
    %scan3A_78 = arith.constant 312 : i32
    %scan3A_79 = arith.addi %scan3A_77, %scan3A_78 : i32
    %scan3A_80 = arith.constant 1 : i32
    %scan3A_81 = scf.for %scan3A_89 = %scan3A_77 to %scan3A_79 step %scan3A_80 iter_args(%scan3A_90 = %scan3A_76) -> (i32)  : i32 {
      %mul3A_91 = arith.constant 32 : i32
      %mul3A_92 = arith.muli %scan3A_89, %mul3A_91 : i32
      %get3A_93 = arith.index_cast %mul3A_92 : i32 to index
      %get3A_94 = tpu.vector_load %arg6[%get3A_93] {strides = array<i32>} : memref<10000xi32, #tpu.memory_space<vmem>>, vector<16xi32>,
      %add3A_95 = arith.constant 16 : i32
      %add3A_96 = arith.addi %mul3A_92, %add3A_95 : i32
      %get3A_97 = arith.index_cast %add3A_96 : i32 to index
      %get3A_98 = tpu.vector_load %arg6[%get3A_97] {strides = array<i32>} : memref<10000xi32, #tpu.memory_space<vmem>>, vector<16xi32>,
      %shift_right_arithmetic3A_99 = arith.constant 7 : i32
      %shift_right_arithmetic3A_100 = vector.broadcast %shift_right_arithmetic3A_99 : i32 to vector<16xi32>
      %shift_right_arithmetic3A_101 = arith.shrsi %get3A_94, %shift_right_arithmetic3A_100 : vector<16xi32>
      %and3A_102 = arith.constant 127 : i32
      %and3A_103 = vector.broadcast %and3A_102 : i32 to vector<16xi32>
      %and3A_104 = arith.andi %get3A_94, %and3A_103 : vector<16xi32>
      tpu.vector_store_idx %arg5[%shift_right_arithmetic3A_101, %and3A_104], %broadcast_in_dim3A_75 {add = true} : memref<128x128xi32, #tpu.memory_space<vmem>>[vector<16xi32>, vector<16xi32>], vector<16xi32>,
      %shift_right_arithmetic3A_105 = arith.constant 7 : i32
      %shift_right_arithmetic3A_106 = vector.broadcast %shift_right_arithmetic3A_105 : i32 to vector<16xi32>
      %shift_right_arithmetic3A_107 = arith.shrsi %get3A_98, %shift_right_arithmetic3A_106 : vector<16xi32>
      %and3A_108 = arith.constant 127 : i32
      %and3A_109 = vector.broadcast %and3A_108 : i32 to vector<16xi32>
      %and3A_110 = arith.andi %get3A_98, %and3A_109 : vector<16xi32>
      tpu.vector_store_idx %arg5[%shift_right_arithmetic3A_107, %and3A_110], %broadcast_in_dim3A_75 {add = true} : memref<128x128xi32, #tpu.memory_space<vmem>>[vector<16xi32>, vector<16xi32>], vector<16xi32>,
      %scan3A_111 = arith.constant 0 : i32
      scf.yield %scan3A_111 : i32
    }
    %scan3A_82 = arith.constant 312 : i32
    %get3A = arith.constant 9984 : index
    %get3A_83 = tpu.vector_load %arg6[%get3A] {strides = array<i32>} : memref<10000xi32, #tpu.memory_space<vmem>>, vector<16xi32>,
    %shift_right_arithmetic3A = arith.constant 7 : i32
    %shift_right_arithmetic3A_84 = vector.broadcast %shift_right_arithmetic3A : i32 to vector<16xi32>
    %shift_right_arithmetic3A_85 = arith.shrsi %get3A_83, %shift_right_arithmetic3A_84 : vector<16xi32>
    %and3A = arith.constant 127 : i32
    %and3A_86 = vector.broadcast %and3A : i32 to vector<16xi32>
    %and3A_87 = arith.andi %get3A_83, %and3A_86 : vector<16xi32>
    tpu.vector_store_idx %arg5[%shift_right_arithmetic3A_85, %and3A_87], %broadcast_in_dim3A_75 {add = true} : memref<128x128xi32, #tpu.memory_space<vmem>>[vector<16xi32>, vector<16xi32>], vector<16xi32>,
    %barrier3A = arith.constant 0 : index
    tpu.barrier barrier_id(%barrier3A)
    %run_scoped3A = arith.constant 0 : i32
    "tpu.region"() ({
      %run_scoped3A_89 = tpu.sem_alloc : memref<!tpu.dma_semaphore, #tpu.memory_space<semaphore_mem>>
      %dma_start3A = arith.constant 0 : i32
      %dma_start3A_90 = tpu.memref_slice %arg8[%run_scoped3A, %dma_start3A] : memref<1x128xi32, #tpu.memory_space<vmem>> -> memref<1x128xi32, #tpu.memory_space<vmem>>
      %dma_start3A_91 = tpu.memref_squeeze %dma_start3A_90 : memref<1x128xi32, #tpu.memory_space<vmem>> -> memref<128xi32, #tpu.memory_space<vmem>>
      %dma_start3A_92 = arith.constant 0 : i32
      %dma_start3A_93 = arith.constant 0 : i32
      %dma_start3A_94 = tpu.memref_slice %arg4[%dma_start3A_92, %dma_start3A_93] : memref<128x128xi32, #tpu.memory_space<vmem_shared>> -> memref<128x128xi32, #tpu.memory_space<vmem_shared>>
      tpu.enqueue_indirect_dma source(%arg5 : memref<128x128xi32, #tpu.memory_space<vmem>>) target(%dma_start3A_94 : memref<128x128xi32, #tpu.memory_space<vmem_shared>>) offsets(%dma_start3A_91 : memref<128xi32, #tpu.memory_space<vmem>>) semaphore(%run_scoped3A_89 : memref<!tpu.dma_semaphore, #tpu.memory_space<semaphore_mem>>) {add = true}
      %dma_wait3A = arith.constant 0 : i32
      %dma_wait3A_95 = tpu.memref_slice %arg8[%run_scoped3A, %dma_wait3A] : memref<1x128xi32, #tpu.memory_space<vmem>> -> memref<1x128xi32, #tpu.memory_space<vmem>>
      %dma_wait3A_96 = tpu.memref_squeeze %dma_wait3A_95 : memref<1x128xi32, #tpu.memory_space<vmem>> -> memref<128xi32, #tpu.memory_space<vmem>>
      %dma_wait3A_97 = arith.constant 0 : i32
      %dma_wait3A_98 = arith.constant 0 : i32
      %dma_wait3A_99 = tpu.memref_slice %arg4[%dma_wait3A_97, %dma_wait3A_98] : memref<128x128xi32, #tpu.memory_space<vmem_shared>> -> memref<128x128xi32, #tpu.memory_space<vmem_shared>>
      tpu.wait_indirect_dma semaphore(%run_scoped3A_89 : memref<!tpu.dma_semaphore, #tpu.memory_space<semaphore_mem>>) src(%arg5 : memref<128x128xi32, #tpu.memory_space<vmem>>) dst(%dma_wait3A_99 : memref<128x128xi32, #tpu.memory_space<vmem_shared>>)
      tpu.yield
    }) : () -> ()
    %barrier3A_88 = arith.constant 0 : index
    tpu.barrier barrier_id(%barrier3A_88)
    "tpu.region"() ({
      %run_scoped3A_89 = tpu.sem_alloc : memref<!tpu.dma_semaphore, #tpu.memory_space<semaphore_mem>>
      %dma_start3A = arith.constant 0 : i32
      %dma_start3A_90 = tpu.memref_slice %arg4[%mul3A_0, %dma_start3A] : memref<128x128xi32, #tpu.memory_space<vmem_shared>> -> memref<8x128xi32, #tpu.memory_space<vmem_shared>>
      %dma_start3A_91 = arith.constant 0 : i32
      %dma_start3A_92 = tpu.memref_slice %arg4[%mul3A_0, %dma_start3A_91] : memref<128x128xi32, #tpu.memory_space<vmem_shared>> -> memref<8x128xi32, #tpu.memory_space<vmem_shared>>
      tpu.enqueue_dma source(%dma_start3A_92 : memref<8x128xi32, #tpu.memory_space<vmem_shared>>) target(%arg7 : memref<8x128xi32, #tpu.memory_space<vmem>>) target_semaphore(%run_scoped3A_89 : memref<!tpu.dma_semaphore, #tpu.memory_space<semaphore_mem>>)
      %dma_wait3A = arith.constant 0 : i32
      %dma_wait3A_93 = tpu.memref_slice %arg4[%mul3A_0, %dma_wait3A] : memref<128x128xi32, #tpu.memory_space<vmem_shared>> -> memref<8x128xi32, #tpu.memory_space<vmem_shared>>
      %dma_wait3A_94 = arith.constant 0 : i32
      %dma_wait3A_95 = tpu.memref_slice %arg4[%mul3A_0, %dma_wait3A_94] : memref<128x128xi32, #tpu.memory_space<vmem_shared>> -> memref<8x128xi32, #tpu.memory_space<vmem_shared>>
      tpu.wait_dma2 semaphore(%run_scoped3A_89 : memref<!tpu.dma_semaphore, #tpu.memory_space<semaphore_mem>>) src(%dma_wait3A_95 : memref<8x128xi32, #tpu.memory_space<vmem_shared>>) dst(%arg7 : memref<8x128xi32, #tpu.memory_space<vmem>>)
      tpu.yield
    }) : () -> ()
    "tpu.region"() ({
      %run_scoped3A_89 = tpu.sem_alloc : memref<!tpu.dma_semaphore, #tpu.memory_space<semaphore_mem>>
      %dma_start3A = arith.constant 0 : i32
      %dma_start3A_90 = tpu.memref_slice %arg3[%arg0, %mul3A_0, %dma_start3A] : memref<2x128x128xi32, #tpu.memory_space<hbm>> -> memref<1x8x128xi32, #tpu.memory_space<hbm>>
      %dma_start3A_91 = tpu.memref_squeeze %dma_start3A_90 : memref<1x8x128xi32, #tpu.memory_space<hbm>> -> memref<8x128xi32, #tpu.memory_space<hbm>>
      %dma_start3A_92 = arith.constant 0 : i32
      %dma_start3A_93 = tpu.memref_slice %arg3[%arg0, %mul3A_0, %dma_start3A_92] : memref<2x128x128xi32, #tpu.memory_space<hbm>> -> memref<1x8x128xi32, #tpu.memory_space<hbm>>
      %dma_start3A_94 = tpu.memref_squeeze %dma_start3A_93 : memref<1x8x128xi32, #tpu.memory_space<hbm>> -> memref<8x128xi32, #tpu.memory_space<hbm>>
      tpu.enqueue_dma source(%arg7 : memref<8x128xi32, #tpu.memory_space<vmem>>) target(%dma_start3A_94 : memref<8x128xi32, #tpu.memory_space<hbm>>) target_semaphore(%run_scoped3A_89 : memref<!tpu.dma_semaphore, #tpu.memory_space<semaphore_mem>>)
      %dma_wait3A = arith.constant 0 : i32
      %dma_wait3A_95 = tpu.memref_slice %arg3[%arg0, %mul3A_0, %dma_wait3A] : memref<2x128x128xi32, #tpu.memory_space<hbm>> -> memref<1x8x128xi32, #tpu.memory_space<hbm>>
      %dma_wait3A_96 = tpu.memref_squeeze %dma_wait3A_95 : memref<1x8x128xi32, #tpu.memory_space<hbm>> -> memref<8x128xi32, #tpu.memory_space<hbm>>
      %dma_wait3A_97 = arith.constant 0 : i32
      %dma_wait3A_98 = tpu.memref_slice %arg3[%arg0, %mul3A_0, %dma_wait3A_97] : memref<2x128x128xi32, #tpu.memory_space<hbm>> -> memref<1x8x128xi32, #tpu.memory_space<hbm>>
      %dma_wait3A_99 = tpu.memref_squeeze %dma_wait3A_98 : memref<1x8x128xi32, #tpu.memory_space<hbm>> -> memref<8x128xi32, #tpu.memory_space<hbm>>
      tpu.wait_dma2 semaphore(%run_scoped3A_89 : memref<!tpu.dma_semaphore, #tpu.memory_space<semaphore_mem>>) src(%arg7 : memref<8x128xi32, #tpu.memory_space<vmem>>) dst(%dma_wait3A_99 : memref<8x128xi32, #tpu.memory_space<hbm>>)
      tpu.yield
    }) : () -> ()
    return
  }
}

#map = affine_map<(d0, d1) -> (0, 0)>
#map1 = affine_map<(d0, d1) -> (0, 0, 0)>
#map2 = affine_map<(d0, d1) -> (0, 0, 0, 0)>
module attributes {stable_mosaic.version = 14 : i64} {
  func.func @_agg_kernel(%arg0: i32, %arg1: i32, %arg2: memref<10240x128xf32, #tpu.memory_space<hbm>>, %arg3: memref<2x16x10000xi32, #tpu.memory_space<hbm>>, %arg4: memref<2x16x125x80xi32, #tpu.memory_space<hbm>>, %arg5: memref<2x10240x128xf32, #tpu.memory_space<hbm>>, %arg6: memref<10240x128xf32, #tpu.memory_space<vmem_shared>>, %arg7: memref<10000xi32, #tpu.memory_space<vmem>>, %arg8: memref<125x80xi32, #tpu.memory_space<vmem>>, %arg9: memref<80x128xf32, #tpu.memory_space<vmem>>, %arg10: memref<80x128xf32, #tpu.memory_space<vmem>>, %arg11: memref<!tpu.dma_semaphore, #tpu.memory_space<semaphore_mem>>, %arg12: memref<!tpu.dma_semaphore, #tpu.memory_space<semaphore_mem>>) attributes {dimension_semantics = [#tpu.dimension_semantics<core_parallel>, #tpu.dimension_semantics<subcore_parallel>], iteration_bounds = array<i64: 2, 16>, scalar_prefetch = 0 : i64, scratch_operands = 7 : i64, tpu.core_type = #tpu.core_type<sc_vector_subcore>, window_params = [{transform_indices = #map}, {transform_indices = #map1}, {transform_indices = #map2}, {transform_indices = #map1}]} {
    %mul3A = arith.constant 640 : i32
    %mul3A_0 = arith.muli %arg1, %mul3A : i32
    "tpu.region"() ({
      %run_scoped3A_16 = tpu.sem_alloc : memref<!tpu.dma_semaphore, #tpu.memory_space<semaphore_mem>>
      %dma_start3A_17 = arith.constant 0 : i32
      %dma_start3A_18 = tpu.memref_slice %arg6[%mul3A_0, %dma_start3A_17] : memref<10240x128xf32, #tpu.memory_space<vmem_shared>> -> memref<640x128xf32, #tpu.memory_space<vmem_shared>>
      %dma_start3A_19 = arith.constant 0 : i32
      %dma_start3A_20 = tpu.memref_slice %arg2[%mul3A_0, %dma_start3A_19] : memref<10240x128xf32, #tpu.memory_space<hbm>> -> memref<640x128xf32, #tpu.memory_space<hbm>>
      tpu.enqueue_dma source(%dma_start3A_20 : memref<640x128xf32, #tpu.memory_space<hbm>>) target(%dma_start3A_18 : memref<640x128xf32, #tpu.memory_space<vmem_shared>>) target_semaphore(%run_scoped3A_16 : memref<!tpu.dma_semaphore, #tpu.memory_space<semaphore_mem>>)
      %dma_wait3A_21 = arith.constant 0 : i32
      %dma_wait3A_22 = tpu.memref_slice %arg6[%mul3A_0, %dma_wait3A_21] : memref<10240x128xf32, #tpu.memory_space<vmem_shared>> -> memref<640x128xf32, #tpu.memory_space<vmem_shared>>
      %dma_wait3A_23 = arith.constant 0 : i32
      %dma_wait3A_24 = tpu.memref_slice %arg2[%mul3A_0, %dma_wait3A_23] : memref<10240x128xf32, #tpu.memory_space<hbm>> -> memref<640x128xf32, #tpu.memory_space<hbm>>
      tpu.wait_dma2 semaphore(%run_scoped3A_16 : memref<!tpu.dma_semaphore, #tpu.memory_space<semaphore_mem>>) src(%dma_wait3A_24 : memref<640x128xf32, #tpu.memory_space<hbm>>) dst(%dma_wait3A_22 : memref<640x128xf32, #tpu.memory_space<vmem_shared>>)
      tpu.yield
    }) : () -> ()
    %barrier3A = arith.constant 0 : index
    tpu.barrier barrier_id(%barrier3A)
    "tpu.region"() ({
      %run_scoped3A_16 = tpu.sem_alloc : memref<!tpu.dma_semaphore, #tpu.memory_space<semaphore_mem>>
      %dma_start3A_17 = arith.constant 0 : i32
      %dma_start3A_18 = tpu.memref_slice %arg3[%arg0, %arg1, %dma_start3A_17] : memref<2x16x10000xi32, #tpu.memory_space<hbm>> -> memref<1x1x10000xi32, #tpu.memory_space<hbm>>
      %dma_start3A_19 = tpu.memref_squeeze %dma_start3A_18 : memref<1x1x10000xi32, #tpu.memory_space<hbm>> -> memref<10000xi32, #tpu.memory_space<hbm>>
      %dma_start3A_20 = arith.constant 0 : i32
      %dma_start3A_21 = tpu.memref_slice %arg3[%arg0, %arg1, %dma_start3A_20] : memref<2x16x10000xi32, #tpu.memory_space<hbm>> -> memref<1x1x10000xi32, #tpu.memory_space<hbm>>
      %dma_start3A_22 = tpu.memref_squeeze %dma_start3A_21 : memref<1x1x10000xi32, #tpu.memory_space<hbm>> -> memref<10000xi32, #tpu.memory_space<hbm>>
      tpu.enqueue_dma source(%dma_start3A_22 : memref<10000xi32, #tpu.memory_space<hbm>>) target(%arg7 : memref<10000xi32, #tpu.memory_space<vmem>>) target_semaphore(%run_scoped3A_16 : memref<!tpu.dma_semaphore, #tpu.memory_space<semaphore_mem>>)
      %dma_wait3A_23 = arith.constant 0 : i32
      %dma_wait3A_24 = tpu.memref_slice %arg3[%arg0, %arg1, %dma_wait3A_23] : memref<2x16x10000xi32, #tpu.memory_space<hbm>> -> memref<1x1x10000xi32, #tpu.memory_space<hbm>>
      %dma_wait3A_25 = tpu.memref_squeeze %dma_wait3A_24 : memref<1x1x10000xi32, #tpu.memory_space<hbm>> -> memref<10000xi32, #tpu.memory_space<hbm>>
      %dma_wait3A_26 = arith.constant 0 : i32
      %dma_wait3A_27 = tpu.memref_slice %arg3[%arg0, %arg1, %dma_wait3A_26] : memref<2x16x10000xi32, #tpu.memory_space<hbm>> -> memref<1x1x10000xi32, #tpu.memory_space<hbm>>
      %dma_wait3A_28 = tpu.memref_squeeze %dma_wait3A_27 : memref<1x1x10000xi32, #tpu.memory_space<hbm>> -> memref<10000xi32, #tpu.memory_space<hbm>>
      tpu.wait_dma2 semaphore(%run_scoped3A_16 : memref<!tpu.dma_semaphore, #tpu.memory_space<semaphore_mem>>) src(%dma_wait3A_28 : memref<10000xi32, #tpu.memory_space<hbm>>) dst(%arg7 : memref<10000xi32, #tpu.memory_space<vmem>>)
      tpu.yield
    }) : () -> ()
    "tpu.region"() ({
      %run_scoped3A_16 = tpu.sem_alloc : memref<!tpu.dma_semaphore, #tpu.memory_space<semaphore_mem>>
      %dma_start3A_17 = arith.constant 0 : i32
      %dma_start3A_18 = arith.constant 0 : i32
      %dma_start3A_19 = tpu.memref_slice %arg4[%arg0, %arg1, %dma_start3A_17, %dma_start3A_18] : memref<2x16x125x80xi32, #tpu.memory_space<hbm>> -> memref<1x1x125x80xi32, #tpu.memory_space<hbm>>
      %dma_start3A_20 = tpu.memref_squeeze %dma_start3A_19 : memref<1x1x125x80xi32, #tpu.memory_space<hbm>> -> memref<125x80xi32, #tpu.memory_space<hbm>>
      %dma_start3A_21 = arith.constant 0 : i32
      %dma_start3A_22 = arith.constant 0 : i32
      %dma_start3A_23 = tpu.memref_slice %arg4[%arg0, %arg1, %dma_start3A_21, %dma_start3A_22] : memref<2x16x125x80xi32, #tpu.memory_space<hbm>> -> memref<1x1x125x80xi32, #tpu.memory_space<hbm>>
      %dma_start3A_24 = tpu.memref_squeeze %dma_start3A_23 : memref<1x1x125x80xi32, #tpu.memory_space<hbm>> -> memref<125x80xi32, #tpu.memory_space<hbm>>
      tpu.enqueue_dma source(%dma_start3A_24 : memref<125x80xi32, #tpu.memory_space<hbm>>) target(%arg8 : memref<125x80xi32, #tpu.memory_space<vmem>>) target_semaphore(%run_scoped3A_16 : memref<!tpu.dma_semaphore, #tpu.memory_space<semaphore_mem>>)
      %dma_wait3A_25 = arith.constant 0 : i32
      %dma_wait3A_26 = arith.constant 0 : i32
      %dma_wait3A_27 = tpu.memref_slice %arg4[%arg0, %arg1, %dma_wait3A_25, %dma_wait3A_26] : memref<2x16x125x80xi32, #tpu.memory_space<hbm>> -> memref<1x1x125x80xi32, #tpu.memory_space<hbm>>
      %dma_wait3A_28 = tpu.memref_squeeze %dma_wait3A_27 : memref<1x1x125x80xi32, #tpu.memory_space<hbm>> -> memref<125x80xi32, #tpu.memory_space<hbm>>
      %dma_wait3A_29 = arith.constant 0 : i32
      %dma_wait3A_30 = arith.constant 0 : i32
      %dma_wait3A_31 = tpu.memref_slice %arg4[%arg0, %arg1, %dma_wait3A_29, %dma_wait3A_30] : memref<2x16x125x80xi32, #tpu.memory_space<hbm>> -> memref<1x1x125x80xi32, #tpu.memory_space<hbm>>
      %dma_wait3A_32 = tpu.memref_squeeze %dma_wait3A_31 : memref<1x1x125x80xi32, #tpu.memory_space<hbm>> -> memref<125x80xi32, #tpu.memory_space<hbm>>
      tpu.wait_dma2 semaphore(%run_scoped3A_16 : memref<!tpu.dma_semaphore, #tpu.memory_space<semaphore_mem>>) src(%dma_wait3A_32 : memref<125x80xi32, #tpu.memory_space<hbm>>) dst(%arg8 : memref<125x80xi32, #tpu.memory_space<vmem>>)
      tpu.yield
    }) : () -> ()
    %dma_start3A = arith.constant 0 : i32
    %dma_start3A_1 = tpu.memref_slice %arg7[%dma_start3A] : memref<10000xi32, #tpu.memory_space<vmem>> -> memref<80xi32, #tpu.memory_space<vmem>>
    %dma_start3A_2 = arith.constant 0 : i32
    %dma_start3A_3 = arith.constant 0 : i32
    %dma_start3A_4 = tpu.memref_slice %arg2[%dma_start3A_2, %dma_start3A_3] : memref<10240x128xf32, #tpu.memory_space<hbm>> -> memref<10240x128xf32, #tpu.memory_space<hbm>>
    tpu.enqueue_indirect_dma source(%dma_start3A_4 : memref<10240x128xf32, #tpu.memory_space<hbm>>) target(%arg9 : memref<80x128xf32, #tpu.memory_space<vmem>>) offsets(%dma_start3A_1 : memref<80xi32, #tpu.memory_space<vmem>>) semaphore(%arg11 : memref<!tpu.dma_semaphore, #tpu.memory_space<semaphore_mem>>)
    %scan3A = arith.constant 0 : i32
    %scan3A_5 = arith.constant 0 : i32
    %scan3A_6 = arith.constant 62 : i32
    %scan3A_7 = arith.addi %scan3A_5, %scan3A_6 : i32
    %scan3A_8 = arith.constant 1 : i32
    %scan3A_9 = scf.for %scan3A_16 = %scan3A_5 to %scan3A_7 step %scan3A_8 iter_args(%scan3A_17 = %scan3A) -> (i32)  : i32 {
      %mul3A_18 = arith.constant 2 : i32
      %mul3A_19 = arith.muli %mul3A_18, %scan3A_16 : i32
      %add3A = arith.constant 1 : i32
      %add3A_20 = arith.addi %mul3A_19, %add3A : i32
      %mul3A_21 = arith.constant 80 : i32
      %mul3A_22 = arith.muli %add3A_20, %mul3A_21 : i32
      %dma_start3A_23 = tpu.memref_slice %arg7[%mul3A_22] : memref<10000xi32, #tpu.memory_space<vmem>> -> memref<80xi32, #tpu.memory_space<vmem>>
      %dma_start3A_24 = arith.constant 0 : i32
      %dma_start3A_25 = arith.constant 0 : i32
      %dma_start3A_26 = tpu.memref_slice %arg2[%dma_start3A_24, %dma_start3A_25] : memref<10240x128xf32, #tpu.memory_space<hbm>> -> memref<10240x128xf32, #tpu.memory_space<hbm>>
      tpu.enqueue_indirect_dma source(%dma_start3A_26 : memref<10240x128xf32, #tpu.memory_space<hbm>>) target(%arg10 : memref<80x128xf32, #tpu.memory_space<vmem>>) offsets(%dma_start3A_23 : memref<80xi32, #tpu.memory_space<vmem>>) semaphore(%arg12 : memref<!tpu.dma_semaphore, #tpu.memory_space<semaphore_mem>>)
      %mul3A_27 = arith.constant 80 : i32
      %mul3A_28 = arith.muli %mul3A_19, %mul3A_27 : i32
      %dma_wait3A_29 = tpu.memref_slice %arg7[%mul3A_28] : memref<10000xi32, #tpu.memory_space<vmem>> -> memref<80xi32, #tpu.memory_space<vmem>>
      %dma_wait3A_30 = arith.constant 0 : i32
      %dma_wait3A_31 = arith.constant 0 : i32
      %dma_wait3A_32 = tpu.memref_slice %arg2[%dma_wait3A_30, %dma_wait3A_31] : memref<10240x128xf32, #tpu.memory_space<hbm>> -> memref<10240x128xf32, #tpu.memory_space<hbm>>
      tpu.wait_indirect_dma semaphore(%arg11 : memref<!tpu.dma_semaphore, #tpu.memory_space<semaphore_mem>>) src(%dma_wait3A_32 : memref<10240x128xf32, #tpu.memory_space<hbm>>) dst(%arg9 : memref<80x128xf32, #tpu.memory_space<vmem>>)
      "tpu.region"() ({
        %run_scoped3A_52 = tpu.sem_alloc : memref<!tpu.dma_semaphore, #tpu.memory_space<semaphore_mem>>
        %dma_start3A_53 = arith.constant 0 : i32
        %dma_start3A_54 = tpu.memref_slice %arg8[%mul3A_19, %dma_start3A_53] : memref<125x80xi32, #tpu.memory_space<vmem>> -> memref<1x80xi32, #tpu.memory_space<vmem>>
        %dma_start3A_55 = tpu.memref_squeeze %dma_start3A_54 : memref<1x80xi32, #tpu.memory_space<vmem>> -> memref<80xi32, #tpu.memory_space<vmem>>
        %dma_start3A_56 = arith.constant 0 : i32
        %dma_start3A_57 = arith.constant 0 : i32
        %dma_start3A_58 = tpu.memref_slice %arg6[%dma_start3A_56, %dma_start3A_57] : memref<10240x128xf32, #tpu.memory_space<vmem_shared>> -> memref<10240x128xf32, #tpu.memory_space<vmem_shared>>
        tpu.enqueue_indirect_dma source(%arg9 : memref<80x128xf32, #tpu.memory_space<vmem>>) target(%dma_start3A_58 : memref<10240x128xf32, #tpu.memory_space<vmem_shared>>) offsets(%dma_start3A_55 : memref<80xi32, #tpu.memory_space<vmem>>) semaphore(%run_scoped3A_52 : memref<!tpu.dma_semaphore, #tpu.memory_space<semaphore_mem>>) {add = true}
        %dma_wait3A_59 = arith.constant 0 : i32
        %dma_wait3A_60 = tpu.memref_slice %arg8[%mul3A_19, %dma_wait3A_59] : memref<125x80xi32, #tpu.memory_space<vmem>> -> memref<1x80xi32, #tpu.memory_space<vmem>>
        %dma_wait3A_61 = tpu.memref_squeeze %dma_wait3A_60 : memref<1x80xi32, #tpu.memory_space<vmem>> -> memref<80xi32, #tpu.memory_space<vmem>>
        %dma_wait3A_62 = arith.constant 0 : i32
        %dma_wait3A_63 = arith.constant 0 : i32
        %dma_wait3A_64 = tpu.memref_slice %arg6[%dma_wait3A_62, %dma_wait3A_63] : memref<10240x128xf32, #tpu.memory_space<vmem_shared>> -> memref<10240x128xf32, #tpu.memory_space<vmem_shared>>
        tpu.wait_indirect_dma semaphore(%run_scoped3A_52 : memref<!tpu.dma_semaphore, #tpu.memory_space<semaphore_mem>>) src(%arg9 : memref<80x128xf32, #tpu.memory_space<vmem>>) dst(%dma_wait3A_64 : memref<10240x128xf32, #tpu.memory_space<vmem_shared>>)
        tpu.yield
      }) : () -> ()
      %add3A_33 = arith.constant 2 : i32
      %add3A_34 = arith.addi %mul3A_19, %add3A_33 : i32
      %mul3A_35 = arith.constant 80 : i32
      %mul3A_36 = arith.muli %add3A_34, %mul3A_35 : i32
      %dma_start3A_37 = tpu.memref_slice %arg7[%mul3A_36] : memref<10000xi32, #tpu.memory_space<vmem>> -> memref<80xi32, #tpu.memory_space<vmem>>
      %dma_start3A_38 = arith.constant 0 : i32
      %dma_start3A_39 = arith.constant 0 : i32
      %dma_start3A_40 = tpu.memref_slice %arg2[%dma_start3A_38, %dma_start3A_39] : memref<10240x128xf32, #tpu.memory_space<hbm>> -> memref<10240x128xf32, #tpu.memory_space<hbm>>
      tpu.enqueue_indirect_dma source(%dma_start3A_40 : memref<10240x128xf32, #tpu.memory_space<hbm>>) target(%arg9 : memref<80x128xf32, #tpu.memory_space<vmem>>) offsets(%dma_start3A_37 : memref<80xi32, #tpu.memory_space<vmem>>) semaphore(%arg11 : memref<!tpu.dma_semaphore, #tpu.memory_space<semaphore_mem>>)
      %add3A_41 = arith.constant 1 : i32
      %add3A_42 = arith.addi %mul3A_19, %add3A_41 : i32
      %mul3A_43 = arith.constant 80 : i32
      %mul3A_44 = arith.muli %add3A_42, %mul3A_43 : i32
      %dma_wait3A_45 = tpu.memref_slice %arg7[%mul3A_44] : memref<10000xi32, #tpu.memory_space<vmem>> -> memref<80xi32, #tpu.memory_space<vmem>>
      %dma_wait3A_46 = arith.constant 0 : i32
      %dma_wait3A_47 = arith.constant 0 : i32
      %dma_wait3A_48 = tpu.memref_slice %arg2[%dma_wait3A_46, %dma_wait3A_47] : memref<10240x128xf32, #tpu.memory_space<hbm>> -> memref<10240x128xf32, #tpu.memory_space<hbm>>
      tpu.wait_indirect_dma semaphore(%arg12 : memref<!tpu.dma_semaphore, #tpu.memory_space<semaphore_mem>>) src(%dma_wait3A_48 : memref<10240x128xf32, #tpu.memory_space<hbm>>) dst(%arg10 : memref<80x128xf32, #tpu.memory_space<vmem>>)
      %add3A_49 = arith.constant 1 : i32
      %add3A_50 = arith.addi %mul3A_19, %add3A_49 : i32
      "tpu.region"() ({
        %run_scoped3A_52 = tpu.sem_alloc : memref<!tpu.dma_semaphore, #tpu.memory_space<semaphore_mem>>
        %dma_start3A_53 = arith.constant 0 : i32
        %dma_start3A_54 = tpu.memref_slice %arg8[%add3A_50, %dma_start3A_53] : memref<125x80xi32, #tpu.memory_space<vmem>> -> memref<1x80xi32, #tpu.memory_space<vmem>>
        %dma_start3A_55 = tpu.memref_squeeze %dma_start3A_54 : memref<1x80xi32, #tpu.memory_space<vmem>> -> memref<80xi32, #tpu.memory_space<vmem>>
        %dma_start3A_56 = arith.constant 0 : i32
        %dma_start3A_57 = arith.constant 0 : i32
        %dma_start3A_58 = tpu.memref_slice %arg6[%dma_start3A_56, %dma_start3A_57] : memref<10240x128xf32, #tpu.memory_space<vmem_shared>> -> memref<10240x128xf32, #tpu.memory_space<vmem_shared>>
        tpu.enqueue_indirect_dma source(%arg10 : memref<80x128xf32, #tpu.memory_space<vmem>>) target(%dma_start3A_58 : memref<10240x128xf32, #tpu.memory_space<vmem_shared>>) offsets(%dma_start3A_55 : memref<80xi32, #tpu.memory_space<vmem>>) semaphore(%run_scoped3A_52 : memref<!tpu.dma_semaphore, #tpu.memory_space<semaphore_mem>>) {add = true}
        %dma_wait3A_59 = arith.constant 0 : i32
        %dma_wait3A_60 = tpu.memref_slice %arg8[%add3A_50, %dma_wait3A_59] : memref<125x80xi32, #tpu.memory_space<vmem>> -> memref<1x80xi32, #tpu.memory_space<vmem>>
        %dma_wait3A_61 = tpu.memref_squeeze %dma_wait3A_60 : memref<1x80xi32, #tpu.memory_space<vmem>> -> memref<80xi32, #tpu.memory_space<vmem>>
        %dma_wait3A_62 = arith.constant 0 : i32
        %dma_wait3A_63 = arith.constant 0 : i32
        %dma_wait3A_64 = tpu.memref_slice %arg6[%dma_wait3A_62, %dma_wait3A_63] : memref<10240x128xf32, #tpu.memory_space<vmem_shared>> -> memref<10240x128xf32, #tpu.memory_space<vmem_shared>>
        tpu.wait_indirect_dma semaphore(%run_scoped3A_52 : memref<!tpu.dma_semaphore, #tpu.memory_space<semaphore_mem>>) src(%arg10 : memref<80x128xf32, #tpu.memory_space<vmem>>) dst(%dma_wait3A_64 : memref<10240x128xf32, #tpu.memory_space<vmem_shared>>)
        tpu.yield
      }) : () -> ()
      %scan3A_51 = arith.constant 0 : i32
      scf.yield %scan3A_51 : i32
    }
    %scan3A_10 = arith.constant 62 : i32
    %dma_wait3A = arith.constant 9920 : i32
    %dma_wait3A_11 = tpu.memref_slice %arg7[%dma_wait3A] : memref<10000xi32, #tpu.memory_space<vmem>> -> memref<80xi32, #tpu.memory_space<vmem>>
    %dma_wait3A_12 = arith.constant 0 : i32
    %dma_wait3A_13 = arith.constant 0 : i32
    %dma_wait3A_14 = tpu.memref_slice %arg2[%dma_wait3A_12, %dma_wait3A_13] : memref<10240x128xf32, #tpu.memory_space<hbm>> -> memref<10240x128xf32, #tpu.memory_space<hbm>>
    tpu.wait_indirect_dma semaphore(%arg11 : memref<!tpu.dma_semaphore, #tpu.memory_space<semaphore_mem>>) src(%dma_wait3A_14 : memref<10240x128xf32, #tpu.memory_space<hbm>>) dst(%arg9 : memref<80x128xf32, #tpu.memory_space<vmem>>)
    %run_scoped3A = arith.constant 124 : i32
    "tpu.region"() ({
      %run_scoped3A_16 = tpu.sem_alloc : memref<!tpu.dma_semaphore, #tpu.memory_space<semaphore_mem>>
      %dma_start3A_17 = arith.constant 0 : i32
      %dma_start3A_18 = tpu.memref_slice %arg8[%run_scoped3A, %dma_start3A_17] : memref<125x80xi32, #tpu.memory_space<vmem>> -> memref<1x80xi32, #tpu.memory_space<vmem>>
      %dma_start3A_19 = tpu.memref_squeeze %dma_start3A_18 : memref<1x80xi32, #tpu.memory_space<vmem>> -> memref<80xi32, #tpu.memory_space<vmem>>
      %dma_start3A_20 = arith.constant 0 : i32
      %dma_start3A_21 = arith.constant 0 : i32
      %dma_start3A_22 = tpu.memref_slice %arg6[%dma_start3A_20, %dma_start3A_21] : memref<10240x128xf32, #tpu.memory_space<vmem_shared>> -> memref<10240x128xf32, #tpu.memory_space<vmem_shared>>
      tpu.enqueue_indirect_dma source(%arg9 : memref<80x128xf32, #tpu.memory_space<vmem>>) target(%dma_start3A_22 : memref<10240x128xf32, #tpu.memory_space<vmem_shared>>) offsets(%dma_start3A_19 : memref<80xi32, #tpu.memory_space<vmem>>) semaphore(%run_scoped3A_16 : memref<!tpu.dma_semaphore, #tpu.memory_space<semaphore_mem>>) {add = true}
      %dma_wait3A_23 = arith.constant 0 : i32
      %dma_wait3A_24 = tpu.memref_slice %arg8[%run_scoped3A, %dma_wait3A_23] : memref<125x80xi32, #tpu.memory_space<vmem>> -> memref<1x80xi32, #tpu.memory_space<vmem>>
      %dma_wait3A_25 = tpu.memref_squeeze %dma_wait3A_24 : memref<1x80xi32, #tpu.memory_space<vmem>> -> memref<80xi32, #tpu.memory_space<vmem>>
      %dma_wait3A_26 = arith.constant 0 : i32
      %dma_wait3A_27 = arith.constant 0 : i32
      %dma_wait3A_28 = tpu.memref_slice %arg6[%dma_wait3A_26, %dma_wait3A_27] : memref<10240x128xf32, #tpu.memory_space<vmem_shared>> -> memref<10240x128xf32, #tpu.memory_space<vmem_shared>>
      tpu.wait_indirect_dma semaphore(%run_scoped3A_16 : memref<!tpu.dma_semaphore, #tpu.memory_space<semaphore_mem>>) src(%arg9 : memref<80x128xf32, #tpu.memory_space<vmem>>) dst(%dma_wait3A_28 : memref<10240x128xf32, #tpu.memory_space<vmem_shared>>)
      tpu.yield
    }) : () -> ()
    %barrier3A_15 = arith.constant 0 : index
    tpu.barrier barrier_id(%barrier3A_15)
    "tpu.region"() ({
      %run_scoped3A_16 = tpu.sem_alloc : memref<!tpu.dma_semaphore, #tpu.memory_space<semaphore_mem>>
      %dma_start3A_17 = arith.constant 0 : i32
      %dma_start3A_18 = tpu.memref_slice %arg5[%arg0, %mul3A_0, %dma_start3A_17] : memref<2x10240x128xf32, #tpu.memory_space<hbm>> -> memref<1x640x128xf32, #tpu.memory_space<hbm>>
      %dma_start3A_19 = tpu.memref_squeeze %dma_start3A_18 : memref<1x640x128xf32, #tpu.memory_space<hbm>> -> memref<640x128xf32, #tpu.memory_space<hbm>>
      %dma_start3A_20 = arith.constant 0 : i32
      %dma_start3A_21 = tpu.memref_slice %arg6[%mul3A_0, %dma_start3A_20] : memref<10240x128xf32, #tpu.memory_space<vmem_shared>> -> memref<640x128xf32, #tpu.memory_space<vmem_shared>>
      tpu.enqueue_dma source(%dma_start3A_21 : memref<640x128xf32, #tpu.memory_space<vmem_shared>>) target(%dma_start3A_19 : memref<640x128xf32, #tpu.memory_space<hbm>>) target_semaphore(%run_scoped3A_16 : memref<!tpu.dma_semaphore, #tpu.memory_space<semaphore_mem>>)
      %dma_wait3A_22 = arith.constant 0 : i32
      %dma_wait3A_23 = tpu.memref_slice %arg5[%arg0, %mul3A_0, %dma_wait3A_22] : memref<2x10240x128xf32, #tpu.memory_space<hbm>> -> memref<1x640x128xf32, #tpu.memory_space<hbm>>
      %dma_wait3A_24 = tpu.memref_squeeze %dma_wait3A_23 : memref<1x640x128xf32, #tpu.memory_space<hbm>> -> memref<640x128xf32, #tpu.memory_space<hbm>>
      %dma_wait3A_25 = arith.constant 0 : i32
      %dma_wait3A_26 = tpu.memref_slice %arg6[%mul3A_0, %dma_wait3A_25] : memref<10240x128xf32, #tpu.memory_space<vmem_shared>> -> memref<640x128xf32, #tpu.memory_space<vmem_shared>>
      tpu.wait_dma2 semaphore(%run_scoped3A_16 : memref<!tpu.dma_semaphore, #tpu.memory_space<semaphore_mem>>) src(%dma_wait3A_26 : memref<640x128xf32, #tpu.memory_space<vmem_shared>>) dst(%dma_wait3A_24 : memref<640x128xf32, #tpu.memory_space<hbm>>)
      tpu.yield
    }) : () -> ()
    return
  }
}

#map = affine_map<(d0, d1) -> (0)>
#map1 = affine_map<(d0, d1) -> (0, 0, 0)>
#map2 = affine_map<(d0, d1) -> (0, 0, 0, 0)>
module attributes {stable_mosaic.version = 14 : i64} {
  func.func @_agg2_kernel(%arg0: i32, %arg1: i32, %arg2: memref<10240xf32, #tpu.memory_space<hbm>>, %arg3: memref<10240xf32, #tpu.memory_space<hbm>>, %arg4: memref<2x16x10000xi32, #tpu.memory_space<hbm>>, %arg5: memref<2x16x10000xi32, #tpu.memory_space<hbm>>, %arg6: memref<2x2x128x128xf32, #tpu.memory_space<hbm>>, %arg7: memref<2x128x128xf32, #tpu.memory_space<vmem_shared>>, %arg8: memref<10240xf32, #tpu.memory_space<vmem>>, %arg9: memref<10240xf32, #tpu.memory_space<vmem>>, %arg10: memref<128x128xf32, #tpu.memory_space<vmem>>, %arg11: memref<128x128xf32, #tpu.memory_space<vmem>>, %arg12: memref<10000xi32, #tpu.memory_space<vmem>>, %arg13: memref<10000xi32, #tpu.memory_space<vmem>>, %arg14: memref<8x128xf32, #tpu.memory_space<vmem>>, %arg15: memref<1x128xi32, #tpu.memory_space<vmem>>) attributes {dimension_semantics = [#tpu.dimension_semantics<core_parallel>, #tpu.dimension_semantics<subcore_parallel>], iteration_bounds = array<i64: 2, 16>, scalar_prefetch = 0 : i64, scratch_operands = 9 : i64, tpu.core_type = #tpu.core_type<sc_vector_subcore>, window_params = [{transform_indices = #map}, {transform_indices = #map}, {transform_indices = #map1}, {transform_indices = #map1}, {transform_indices = #map2}]} {
    %mul3A = arith.constant 8 : i32
    %mul3A_0 = arith.muli %arg1, %mul3A : i32
    "tpu.region"() ({
      %run_scoped3A_100 = tpu.sem_alloc : memref<!tpu.dma_semaphore, #tpu.memory_space<semaphore_mem>>
      tpu.enqueue_dma source(%arg2 : memref<10240xf32, #tpu.memory_space<hbm>>) target(%arg8 : memref<10240xf32, #tpu.memory_space<vmem>>) target_semaphore(%run_scoped3A_100 : memref<!tpu.dma_semaphore, #tpu.memory_space<semaphore_mem>>)
      tpu.wait_dma2 semaphore(%run_scoped3A_100 : memref<!tpu.dma_semaphore, #tpu.memory_space<semaphore_mem>>) src(%arg2 : memref<10240xf32, #tpu.memory_space<hbm>>) dst(%arg8 : memref<10240xf32, #tpu.memory_space<vmem>>)
      tpu.yield
    }) : () -> ()
    "tpu.region"() ({
      %run_scoped3A_100 = tpu.sem_alloc : memref<!tpu.dma_semaphore, #tpu.memory_space<semaphore_mem>>
      tpu.enqueue_dma source(%arg3 : memref<10240xf32, #tpu.memory_space<hbm>>) target(%arg9 : memref<10240xf32, #tpu.memory_space<vmem>>) target_semaphore(%run_scoped3A_100 : memref<!tpu.dma_semaphore, #tpu.memory_space<semaphore_mem>>)
      tpu.wait_dma2 semaphore(%run_scoped3A_100 : memref<!tpu.dma_semaphore, #tpu.memory_space<semaphore_mem>>) src(%arg3 : memref<10240xf32, #tpu.memory_space<hbm>>) dst(%arg9 : memref<10240xf32, #tpu.memory_space<vmem>>)
      tpu.yield
    }) : () -> ()
    "tpu.region"() ({
      %run_scoped3A_100 = tpu.sem_alloc : memref<!tpu.dma_semaphore, #tpu.memory_space<semaphore_mem>>
      %dma_start3A = arith.constant 0 : i32
      %dma_start3A_101 = tpu.memref_slice %arg4[%arg0, %arg1, %dma_start3A] : memref<2x16x10000xi32, #tpu.memory_space<hbm>> -> memref<1x1x10000xi32, #tpu.memory_space<hbm>>
      %dma_start3A_102 = tpu.memref_squeeze %dma_start3A_101 : memref<1x1x10000xi32, #tpu.memory_space<hbm>> -> memref<10000xi32, #tpu.memory_space<hbm>>
      %dma_start3A_103 = arith.constant 0 : i32
      %dma_start3A_104 = tpu.memref_slice %arg4[%arg0, %arg1, %dma_start3A_103] : memref<2x16x10000xi32, #tpu.memory_space<hbm>> -> memref<1x1x10000xi32, #tpu.memory_space<hbm>>
      %dma_start3A_105 = tpu.memref_squeeze %dma_start3A_104 : memref<1x1x10000xi32, #tpu.memory_space<hbm>> -> memref<10000xi32, #tpu.memory_space<hbm>>
      tpu.enqueue_dma source(%dma_start3A_105 : memref<10000xi32, #tpu.memory_space<hbm>>) target(%arg12 : memref<10000xi32, #tpu.memory_space<vmem>>) target_semaphore(%run_scoped3A_100 : memref<!tpu.dma_semaphore, #tpu.memory_space<semaphore_mem>>)
      %dma_wait3A = arith.constant 0 : i32
      %dma_wait3A_106 = tpu.memref_slice %arg4[%arg0, %arg1, %dma_wait3A] : memref<2x16x10000xi32, #tpu.memory_space<hbm>> -> memref<1x1x10000xi32, #tpu.memory_space<hbm>>
      %dma_wait3A_107 = tpu.memref_squeeze %dma_wait3A_106 : memref<1x1x10000xi32, #tpu.memory_space<hbm>> -> memref<10000xi32, #tpu.memory_space<hbm>>
      %dma_wait3A_108 = arith.constant 0 : i32
      %dma_wait3A_109 = tpu.memref_slice %arg4[%arg0, %arg1, %dma_wait3A_108] : memref<2x16x10000xi32, #tpu.memory_space<hbm>> -> memref<1x1x10000xi32, #tpu.memory_space<hbm>>
      %dma_wait3A_110 = tpu.memref_squeeze %dma_wait3A_109 : memref<1x1x10000xi32, #tpu.memory_space<hbm>> -> memref<10000xi32, #tpu.memory_space<hbm>>
      tpu.wait_dma2 semaphore(%run_scoped3A_100 : memref<!tpu.dma_semaphore, #tpu.memory_space<semaphore_mem>>) src(%dma_wait3A_110 : memref<10000xi32, #tpu.memory_space<hbm>>) dst(%arg12 : memref<10000xi32, #tpu.memory_space<vmem>>)
      tpu.yield
    }) : () -> ()
    "tpu.region"() ({
      %run_scoped3A_100 = tpu.sem_alloc : memref<!tpu.dma_semaphore, #tpu.memory_space<semaphore_mem>>
      %dma_start3A = arith.constant 0 : i32
      %dma_start3A_101 = tpu.memref_slice %arg5[%arg0, %arg1, %dma_start3A] : memref<2x16x10000xi32, #tpu.memory_space<hbm>> -> memref<1x1x10000xi32, #tpu.memory_space<hbm>>
      %dma_start3A_102 = tpu.memref_squeeze %dma_start3A_101 : memref<1x1x10000xi32, #tpu.memory_space<hbm>> -> memref<10000xi32, #tpu.memory_space<hbm>>
      %dma_start3A_103 = arith.constant 0 : i32
      %dma_start3A_104 = tpu.memref_slice %arg5[%arg0, %arg1, %dma_start3A_103] : memref<2x16x10000xi32, #tpu.memory_space<hbm>> -> memref<1x1x10000xi32, #tpu.memory_space<hbm>>
      %dma_start3A_105 = tpu.memref_squeeze %dma_start3A_104 : memref<1x1x10000xi32, #tpu.memory_space<hbm>> -> memref<10000xi32, #tpu.memory_space<hbm>>
      tpu.enqueue_dma source(%dma_start3A_105 : memref<10000xi32, #tpu.memory_space<hbm>>) target(%arg13 : memref<10000xi32, #tpu.memory_space<vmem>>) target_semaphore(%run_scoped3A_100 : memref<!tpu.dma_semaphore, #tpu.memory_space<semaphore_mem>>)
      %dma_wait3A = arith.constant 0 : i32
      %dma_wait3A_106 = tpu.memref_slice %arg5[%arg0, %arg1, %dma_wait3A] : memref<2x16x10000xi32, #tpu.memory_space<hbm>> -> memref<1x1x10000xi32, #tpu.memory_space<hbm>>
      %dma_wait3A_107 = tpu.memref_squeeze %dma_wait3A_106 : memref<1x1x10000xi32, #tpu.memory_space<hbm>> -> memref<10000xi32, #tpu.memory_space<hbm>>
      %dma_wait3A_108 = arith.constant 0 : i32
      %dma_wait3A_109 = tpu.memref_slice %arg5[%arg0, %arg1, %dma_wait3A_108] : memref<2x16x10000xi32, #tpu.memory_space<hbm>> -> memref<1x1x10000xi32, #tpu.memory_space<hbm>>
      %dma_wait3A_110 = tpu.memref_squeeze %dma_wait3A_109 : memref<1x1x10000xi32, #tpu.memory_space<hbm>> -> memref<10000xi32, #tpu.memory_space<hbm>>
      tpu.wait_dma2 semaphore(%run_scoped3A_100 : memref<!tpu.dma_semaphore, #tpu.memory_space<semaphore_mem>>) src(%dma_wait3A_110 : memref<10000xi32, #tpu.memory_space<hbm>>) dst(%arg13 : memref<10000xi32, #tpu.memory_space<vmem>>)
      tpu.yield
    }) : () -> ()
    %scan3A = arith.constant 0 : i32
    %scan3A_1 = arith.constant 0 : i32
    %scan3A_2 = arith.constant 128 : i32
    %scan3A_3 = arith.addi %scan3A_1, %scan3A_2 : i32
    %scan3A_4 = arith.constant 1 : i32
    %scan3A_5 = scf.for %scan3A_100 = %scan3A_1 to %scan3A_3 step %scan3A_4 iter_args(%scan3A_101 = %scan3A) -> (i32)  : i32 {
      %scan3A_102 = arith.constant 0 : i32
      %scan3A_103 = arith.constant 0 : i32
      %scan3A_104 = arith.constant 8 : i32
      %scan3A_105 = arith.addi %scan3A_103, %scan3A_104 : i32
      %scan3A_106 = arith.constant 1 : i32
      %scan3A_107 = scf.for %scan3A_110 = %scan3A_103 to %scan3A_105 step %scan3A_106 iter_args(%scan3A_111 = %scan3A_102) -> (i32)  : i32 {
        %broadcast_in_dim3A = arith.constant 0.000000e+00 : f32
        %broadcast_in_dim3A_112 = vector.broadcast %broadcast_in_dim3A : f32 to vector<16xf32>
        %mul3A_113 = arith.constant 16 : i32
        %mul3A_114 = arith.muli %scan3A_110, %mul3A_113 : i32
        %swap3A_115 = arith.index_cast %scan3A_100 : i32 to index
        %swap3A_116 = arith.index_cast %mul3A_114 : i32 to index
        %swap3A_117 = tpu.vector_load %arg10[%swap3A_115, %swap3A_116] {strides = array<i32>} : memref<128x128xf32, #tpu.memory_space<vmem>>, vector<16xf32>,
        tpu.vector_store %arg10[%swap3A_115, %swap3A_116], %broadcast_in_dim3A_112 {strides = array<i32>} : memref<128x128xf32, #tpu.memory_space<vmem>>, vector<16xf32>,
        %broadcast_in_dim3A_118 = arith.constant 0.000000e+00 : f32
        %broadcast_in_dim3A_119 = vector.broadcast %broadcast_in_dim3A_118 : f32 to vector<16xf32>
        %mul3A_120 = arith.constant 16 : i32
        %mul3A_121 = arith.muli %scan3A_110, %mul3A_120 : i32
        %swap3A_122 = arith.index_cast %scan3A_100 : i32 to index
        %swap3A_123 = arith.index_cast %mul3A_121 : i32 to index
        %swap3A_124 = tpu.vector_load %arg11[%swap3A_122, %swap3A_123] {strides = array<i32>} : memref<128x128xf32, #tpu.memory_space<vmem>>, vector<16xf32>,
        tpu.vector_store %arg11[%swap3A_122, %swap3A_123], %broadcast_in_dim3A_119 {strides = array<i32>} : memref<128x128xf32, #tpu.memory_space<vmem>>, vector<16xf32>,
        %scan3A_125 = arith.constant 0 : i32
        scf.yield %scan3A_125 : i32
      }
      %scan3A_108 = arith.constant 8 : i32
      %scan3A_109 = arith.constant 0 : i32
      scf.yield %scan3A_109 : i32
    }
    %scan3A_6 = arith.constant 128 : i32
    %scan3A_7 = arith.constant 0 : i32
    %scan3A_8 = arith.constant 0 : i32
    %scan3A_9 = arith.constant 8 : i32
    %scan3A_10 = arith.addi %scan3A_8, %scan3A_9 : i32
    %scan3A_11 = arith.constant 1 : i32
    %scan3A_12 = scf.for %scan3A_100 = %scan3A_8 to %scan3A_10 step %scan3A_11 iter_args(%scan3A_101 = %scan3A_7) -> (i32)  : i32 {
      %scan3A_102 = arith.constant 0 : i32
      %scan3A_103 = arith.constant 0 : i32
      %scan3A_104 = arith.constant 8 : i32
      %scan3A_105 = arith.addi %scan3A_103, %scan3A_104 : i32
      %scan3A_106 = arith.constant 1 : i32
      %scan3A_107 = scf.for %scan3A_110 = %scan3A_103 to %scan3A_105 step %scan3A_106 iter_args(%scan3A_111 = %scan3A_102) -> (i32)  : i32 {
        %broadcast_in_dim3A = arith.constant 0.000000e+00 : f32
        %broadcast_in_dim3A_112 = vector.broadcast %broadcast_in_dim3A : f32 to vector<16xf32>
        %mul3A_113 = arith.constant 16 : i32
        %mul3A_114 = arith.muli %scan3A_110, %mul3A_113 : i32
        %swap3A_115 = arith.index_cast %scan3A_100 : i32 to index
        %swap3A_116 = arith.index_cast %mul3A_114 : i32 to index
        %swap3A_117 = tpu.vector_load %arg14[%swap3A_115, %swap3A_116] {strides = array<i32>} : memref<8x128xf32, #tpu.memory_space<vmem>>, vector<16xf32>,
        tpu.vector_store %arg14[%swap3A_115, %swap3A_116], %broadcast_in_dim3A_112 {strides = array<i32>} : memref<8x128xf32, #tpu.memory_space<vmem>>, vector<16xf32>,
        %scan3A_118 = arith.constant 0 : i32
        scf.yield %scan3A_118 : i32
      }
      %scan3A_108 = arith.constant 8 : i32
      %scan3A_109 = arith.constant 0 : i32
      scf.yield %scan3A_109 : i32
    }
    %scan3A_13 = arith.constant 8 : i32
    %iota3A = tpu.iota {dimensions = array<i32: 0>} : vector<16xi32>
    %add3A = arith.constant 0 : i32
    %add3A_14 = vector.broadcast %add3A : i32 to vector<16xi32>
    %add3A_15 = arith.addi %iota3A, %add3A_14 : vector<16xi32>
    %swap3A = arith.constant 0 : i32
    %swap3A_16 = arith.index_cast %swap3A : i32 to index
    %swap3A_17 = arith.constant 0 : index
    %swap3A_18 = tpu.vector_load %arg15[%swap3A_16, %swap3A_17] {strides = array<i32>} : memref<1x128xi32, #tpu.memory_space<vmem>>, vector<16xi32>,
    tpu.vector_store %arg15[%swap3A_16, %swap3A_17], %add3A_15 {strides = array<i32>} : memref<1x128xi32, #tpu.memory_space<vmem>>, vector<16xi32>,
    %iota3A_19 = tpu.iota {dimensions = array<i32: 0>} : vector<16xi32>
    %add3A_20 = arith.constant 16 : i32
    %add3A_21 = vector.broadcast %add3A_20 : i32 to vector<16xi32>
    %add3A_22 = arith.addi %iota3A_19, %add3A_21 : vector<16xi32>
    %swap3A_23 = arith.constant 0 : i32
    %swap3A_24 = arith.index_cast %swap3A_23 : i32 to index
    %swap3A_25 = arith.constant 16 : index
    %swap3A_26 = tpu.vector_load %arg15[%swap3A_24, %swap3A_25] {strides = array<i32>} : memref<1x128xi32, #tpu.memory_space<vmem>>, vector<16xi32>,
    tpu.vector_store %arg15[%swap3A_24, %swap3A_25], %add3A_22 {strides = array<i32>} : memref<1x128xi32, #tpu.memory_space<vmem>>, vector<16xi32>,
    %iota3A_27 = tpu.iota {dimensions = array<i32: 0>} : vector<16xi32>
    %add3A_28 = arith.constant 32 : i32
    %add3A_29 = vector.broadcast %add3A_28 : i32 to vector<16xi32>
    %add3A_30 = arith.addi %iota3A_27, %add3A_29 : vector<16xi32>
    %swap3A_31 = arith.constant 0 : i32
    %swap3A_32 = arith.index_cast %swap3A_31 : i32 to index
    %swap3A_33 = arith.constant 32 : index
    %swap3A_34 = tpu.vector_load %arg15[%swap3A_32, %swap3A_33] {strides = array<i32>} : memref<1x128xi32, #tpu.memory_space<vmem>>, vector<16xi32>,
    tpu.vector_store %arg15[%swap3A_32, %swap3A_33], %add3A_30 {strides = array<i32>} : memref<1x128xi32, #tpu.memory_space<vmem>>, vector<16xi32>,
    %iota3A_35 = tpu.iota {dimensions = array<i32: 0>} : vector<16xi32>
    %add3A_36 = arith.constant 48 : i32
    %add3A_37 = vector.broadcast %add3A_36 : i32 to vector<16xi32>
    %add3A_38 = arith.addi %iota3A_35, %add3A_37 : vector<16xi32>
    %swap3A_39 = arith.constant 0 : i32
    %swap3A_40 = arith.index_cast %swap3A_39 : i32 to index
    %swap3A_41 = arith.constant 48 : index
    %swap3A_42 = tpu.vector_load %arg15[%swap3A_40, %swap3A_41] {strides = array<i32>} : memref<1x128xi32, #tpu.memory_space<vmem>>, vector<16xi32>,
    tpu.vector_store %arg15[%swap3A_40, %swap3A_41], %add3A_38 {strides = array<i32>} : memref<1x128xi32, #tpu.memory_space<vmem>>, vector<16xi32>,
    %iota3A_43 = tpu.iota {dimensions = array<i32: 0>} : vector<16xi32>
    %add3A_44 = arith.constant 64 : i32
    %add3A_45 = vector.broadcast %add3A_44 : i32 to vector<16xi32>
    %add3A_46 = arith.addi %iota3A_43, %add3A_45 : vector<16xi32>
    %swap3A_47 = arith.constant 0 : i32
    %swap3A_48 = arith.index_cast %swap3A_47 : i32 to index
    %swap3A_49 = arith.constant 64 : index
    %swap3A_50 = tpu.vector_load %arg15[%swap3A_48, %swap3A_49] {strides = array<i32>} : memref<1x128xi32, #tpu.memory_space<vmem>>, vector<16xi32>,
    tpu.vector_store %arg15[%swap3A_48, %swap3A_49], %add3A_46 {strides = array<i32>} : memref<1x128xi32, #tpu.memory_space<vmem>>, vector<16xi32>,
    %iota3A_51 = tpu.iota {dimensions = array<i32: 0>} : vector<16xi32>
    %add3A_52 = arith.constant 80 : i32
    %add3A_53 = vector.broadcast %add3A_52 : i32 to vector<16xi32>
    %add3A_54 = arith.addi %iota3A_51, %add3A_53 : vector<16xi32>
    %swap3A_55 = arith.constant 0 : i32
    %swap3A_56 = arith.index_cast %swap3A_55 : i32 to index
    %swap3A_57 = arith.constant 80 : index
    %swap3A_58 = tpu.vector_load %arg15[%swap3A_56, %swap3A_57] {strides = array<i32>} : memref<1x128xi32, #tpu.memory_space<vmem>>, vector<16xi32>,
    tpu.vector_store %arg15[%swap3A_56, %swap3A_57], %add3A_54 {strides = array<i32>} : memref<1x128xi32, #tpu.memory_space<vmem>>, vector<16xi32>,
    %iota3A_59 = tpu.iota {dimensions = array<i32: 0>} : vector<16xi32>
    %add3A_60 = arith.constant 96 : i32
    %add3A_61 = vector.broadcast %add3A_60 : i32 to vector<16xi32>
    %add3A_62 = arith.addi %iota3A_59, %add3A_61 : vector<16xi32>
    %swap3A_63 = arith.constant 0 : i32
    %swap3A_64 = arith.index_cast %swap3A_63 : i32 to index
    %swap3A_65 = arith.constant 96 : index
    %swap3A_66 = tpu.vector_load %arg15[%swap3A_64, %swap3A_65] {strides = array<i32>} : memref<1x128xi32, #tpu.memory_space<vmem>>, vector<16xi32>,
    tpu.vector_store %arg15[%swap3A_64, %swap3A_65], %add3A_62 {strides = array<i32>} : memref<1x128xi32, #tpu.memory_space<vmem>>, vector<16xi32>,
    %iota3A_67 = tpu.iota {dimensions = array<i32: 0>} : vector<16xi32>
    %add3A_68 = arith.constant 112 : i32
    %add3A_69 = vector.broadcast %add3A_68 : i32 to vector<16xi32>
    %add3A_70 = arith.addi %iota3A_67, %add3A_69 : vector<16xi32>
    %swap3A_71 = arith.constant 0 : i32
    %swap3A_72 = arith.index_cast %swap3A_71 : i32 to index
    %swap3A_73 = arith.constant 112 : index
    %swap3A_74 = tpu.vector_load %arg15[%swap3A_72, %swap3A_73] {strides = array<i32>} : memref<1x128xi32, #tpu.memory_space<vmem>>, vector<16xi32>,
    tpu.vector_store %arg15[%swap3A_72, %swap3A_73], %add3A_70 {strides = array<i32>} : memref<1x128xi32, #tpu.memory_space<vmem>>, vector<16xi32>,
    %run_scoped3A = arith.constant 0 : i32
    "tpu.region"() ({
      %run_scoped3A_100 = tpu.sem_alloc : memref<!tpu.dma_semaphore, #tpu.memory_space<semaphore_mem>>
      %dma_start3A = arith.constant 0 : i32
      %dma_start3A_101 = tpu.memref_slice %arg7[%run_scoped3A, %mul3A_0, %dma_start3A] : memref<2x128x128xf32, #tpu.memory_space<vmem_shared>> -> memref<1x8x128xf32, #tpu.memory_space<vmem_shared>>
      %dma_start3A_102 = tpu.memref_squeeze %dma_start3A_101 : memref<1x8x128xf32, #tpu.memory_space<vmem_shared>> -> memref<8x128xf32, #tpu.memory_space<vmem_shared>>
      %dma_start3A_103 = arith.constant 0 : i32
      %dma_start3A_104 = tpu.memref_slice %arg7[%run_scoped3A, %mul3A_0, %dma_start3A_103] : memref<2x128x128xf32, #tpu.memory_space<vmem_shared>> -> memref<1x8x128xf32, #tpu.memory_space<vmem_shared>>
      %dma_start3A_105 = tpu.memref_squeeze %dma_start3A_104 : memref<1x8x128xf32, #tpu.memory_space<vmem_shared>> -> memref<8x128xf32, #tpu.memory_space<vmem_shared>>
      tpu.enqueue_dma source(%arg14 : memref<8x128xf32, #tpu.memory_space<vmem>>) target(%dma_start3A_105 : memref<8x128xf32, #tpu.memory_space<vmem_shared>>) target_semaphore(%run_scoped3A_100 : memref<!tpu.dma_semaphore, #tpu.memory_space<semaphore_mem>>)
      %dma_wait3A = arith.constant 0 : i32
      %dma_wait3A_106 = tpu.memref_slice %arg7[%run_scoped3A, %mul3A_0, %dma_wait3A] : memref<2x128x128xf32, #tpu.memory_space<vmem_shared>> -> memref<1x8x128xf32, #tpu.memory_space<vmem_shared>>
      %dma_wait3A_107 = tpu.memref_squeeze %dma_wait3A_106 : memref<1x8x128xf32, #tpu.memory_space<vmem_shared>> -> memref<8x128xf32, #tpu.memory_space<vmem_shared>>
      %dma_wait3A_108 = arith.constant 0 : i32
      %dma_wait3A_109 = tpu.memref_slice %arg7[%run_scoped3A, %mul3A_0, %dma_wait3A_108] : memref<2x128x128xf32, #tpu.memory_space<vmem_shared>> -> memref<1x8x128xf32, #tpu.memory_space<vmem_shared>>
      %dma_wait3A_110 = tpu.memref_squeeze %dma_wait3A_109 : memref<1x8x128xf32, #tpu.memory_space<vmem_shared>> -> memref<8x128xf32, #tpu.memory_space<vmem_shared>>
      tpu.wait_dma2 semaphore(%run_scoped3A_100 : memref<!tpu.dma_semaphore, #tpu.memory_space<semaphore_mem>>) src(%arg14 : memref<8x128xf32, #tpu.memory_space<vmem>>) dst(%dma_wait3A_110 : memref<8x128xf32, #tpu.memory_space<vmem_shared>>)
      tpu.yield
    }) : () -> ()
    %run_scoped3A_75 = arith.constant 1 : i32
    "tpu.region"() ({
      %run_scoped3A_100 = tpu.sem_alloc : memref<!tpu.dma_semaphore, #tpu.memory_space<semaphore_mem>>
      %dma_start3A = arith.constant 0 : i32
      %dma_start3A_101 = tpu.memref_slice %arg7[%run_scoped3A_75, %mul3A_0, %dma_start3A] : memref<2x128x128xf32, #tpu.memory_space<vmem_shared>> -> memref<1x8x128xf32, #tpu.memory_space<vmem_shared>>
      %dma_start3A_102 = tpu.memref_squeeze %dma_start3A_101 : memref<1x8x128xf32, #tpu.memory_space<vmem_shared>> -> memref<8x128xf32, #tpu.memory_space<vmem_shared>>
      %dma_start3A_103 = arith.constant 0 : i32
      %dma_start3A_104 = tpu.memref_slice %arg7[%run_scoped3A_75, %mul3A_0, %dma_start3A_103] : memref<2x128x128xf32, #tpu.memory_space<vmem_shared>> -> memref<1x8x128xf32, #tpu.memory_space<vmem_shared>>
      %dma_start3A_105 = tpu.memref_squeeze %dma_start3A_104 : memref<1x8x128xf32, #tpu.memory_space<vmem_shared>> -> memref<8x128xf32, #tpu.memory_space<vmem_shared>>
      tpu.enqueue_dma source(%arg14 : memref<8x128xf32, #tpu.memory_space<vmem>>) target(%dma_start3A_105 : memref<8x128xf32, #tpu.memory_space<vmem_shared>>) target_semaphore(%run_scoped3A_100 : memref<!tpu.dma_semaphore, #tpu.memory_space<semaphore_mem>>)
      %dma_wait3A = arith.constant 0 : i32
      %dma_wait3A_106 = tpu.memref_slice %arg7[%run_scoped3A_75, %mul3A_0, %dma_wait3A] : memref<2x128x128xf32, #tpu.memory_space<vmem_shared>> -> memref<1x8x128xf32, #tpu.memory_space<vmem_shared>>
      %dma_wait3A_107 = tpu.memref_squeeze %dma_wait3A_106 : memref<1x8x128xf32, #tpu.memory_space<vmem_shared>> -> memref<8x128xf32, #tpu.memory_space<vmem_shared>>
      %dma_wait3A_108 = arith.constant 0 : i32
      %dma_wait3A_109 = tpu.memref_slice %arg7[%run_scoped3A_75, %mul3A_0, %dma_wait3A_108] : memref<2x128x128xf32, #tpu.memory_space<vmem_shared>> -> memref<1x8x128xf32, #tpu.memory_space<vmem_shared>>
      %dma_wait3A_110 = tpu.memref_squeeze %dma_wait3A_109 : memref<1x8x128xf32, #tpu.memory_space<vmem_shared>> -> memref<8x128xf32, #tpu.memory_space<vmem_shared>>
      tpu.wait_dma2 semaphore(%run_scoped3A_100 : memref<!tpu.dma_semaphore, #tpu.memory_space<semaphore_mem>>) src(%arg14 : memref<8x128xf32, #tpu.memory_space<vmem>>) dst(%dma_wait3A_110 : memref<8x128xf32, #tpu.memory_space<vmem_shared>>)
      tpu.yield
    }) : () -> ()
    %scan3A_76 = arith.constant 0 : i32
    %scan3A_77 = arith.constant 0 : i32
    %scan3A_78 = arith.constant 312 : i32
    %scan3A_79 = arith.addi %scan3A_77, %scan3A_78 : i32
    %scan3A_80 = arith.constant 1 : i32
    %scan3A_81 = scf.for %scan3A_100 = %scan3A_77 to %scan3A_79 step %scan3A_80 iter_args(%scan3A_101 = %scan3A_76) -> (i32)  : i32 {
      %mul3A_102 = arith.constant 32 : i32
      %mul3A_103 = arith.muli %scan3A_100, %mul3A_102 : i32
      %get3A_104 = arith.index_cast %mul3A_103 : i32 to index
      %get3A_105 = tpu.vector_load %arg12[%get3A_104] {strides = array<i32>} : memref<10000xi32, #tpu.memory_space<vmem>>, vector<16xi32>,
      %get3A_106 = arith.index_cast %mul3A_103 : i32 to index
      %get3A_107 = tpu.vector_load %arg13[%get3A_106] {strides = array<i32>} : memref<10000xi32, #tpu.memory_space<vmem>>, vector<16xi32>,
      %shift_right_arithmetic3A_108 = arith.constant 7 : i32
      %shift_right_arithmetic3A_109 = vector.broadcast %shift_right_arithmetic3A_108 : i32 to vector<16xi32>
      %shift_right_arithmetic3A_110 = arith.shrsi %get3A_107, %shift_right_arithmetic3A_109 : vector<16xi32>
      %and3A_111 = arith.constant 127 : i32
      %and3A_112 = vector.broadcast %and3A_111 : i32 to vector<16xi32>
      %and3A_113 = arith.andi %get3A_107, %and3A_112 : vector<16xi32>
      %gather3A_114 = tpu.vector_load_idx %arg8[%get3A_105] : memref<10240xf32, #tpu.memory_space<vmem>>[vector<16xi32>], vector<16xf32>,
      tpu.vector_store_idx %arg10[%shift_right_arithmetic3A_110, %and3A_113], %gather3A_114 {add = true} : memref<128x128xf32, #tpu.memory_space<vmem>>[vector<16xi32>, vector<16xi32>], vector<16xf32>,
      %gather3A_115 = tpu.vector_load_idx %arg9[%get3A_105] : memref<10240xf32, #tpu.memory_space<vmem>>[vector<16xi32>], vector<16xf32>,
      tpu.vector_store_idx %arg11[%shift_right_arithmetic3A_110, %and3A_113], %gather3A_115 {add = true} : memref<128x128xf32, #tpu.memory_space<vmem>>[vector<16xi32>, vector<16xi32>], vector<16xf32>,
      %mul3A_116 = arith.constant 32 : i32
      %mul3A_117 = arith.muli %scan3A_100, %mul3A_116 : i32
      %add3A_118 = arith.constant 16 : i32
      %add3A_119 = arith.addi %mul3A_117, %add3A_118 : i32
      %get3A_120 = arith.index_cast %add3A_119 : i32 to index
      %get3A_121 = tpu.vector_load %arg12[%get3A_120] {strides = array<i32>} : memref<10000xi32, #tpu.memory_space<vmem>>, vector<16xi32>,
      %get3A_122 = arith.index_cast %add3A_119 : i32 to index
      %get3A_123 = tpu.vector_load %arg13[%get3A_122] {strides = array<i32>} : memref<10000xi32, #tpu.memory_space<vmem>>, vector<16xi32>,
      %shift_right_arithmetic3A_124 = arith.constant 7 : i32
      %shift_right_arithmetic3A_125 = vector.broadcast %shift_right_arithmetic3A_124 : i32 to vector<16xi32>
      %shift_right_arithmetic3A_126 = arith.shrsi %get3A_123, %shift_right_arithmetic3A_125 : vector<16xi32>
      %and3A_127 = arith.constant 127 : i32
      %and3A_128 = vector.broadcast %and3A_127 : i32 to vector<16xi32>
      %and3A_129 = arith.andi %get3A_123, %and3A_128 : vector<16xi32>
      %gather3A_130 = tpu.vector_load_idx %arg8[%get3A_121] : memref<10240xf32, #tpu.memory_space<vmem>>[vector<16xi32>], vector<16xf32>,
      tpu.vector_store_idx %arg10[%shift_right_arithmetic3A_126, %and3A_129], %gather3A_130 {add = true} : memref<128x128xf32, #tpu.memory_space<vmem>>[vector<16xi32>, vector<16xi32>], vector<16xf32>,
      %gather3A_131 = tpu.vector_load_idx %arg9[%get3A_121] : memref<10240xf32, #tpu.memory_space<vmem>>[vector<16xi32>], vector<16xf32>,
      tpu.vector_store_idx %arg11[%shift_right_arithmetic3A_126, %and3A_129], %gather3A_131 {add = true} : memref<128x128xf32, #tpu.memory_space<vmem>>[vector<16xi32>, vector<16xi32>], vector<16xf32>,
      %scan3A_132 = arith.constant 0 : i32
      scf.yield %scan3A_132 : i32
    }
    %scan3A_82 = arith.constant 312 : i32
    %get3A = arith.constant 9984 : index
    %get3A_83 = tpu.vector_load %arg12[%get3A] {strides = array<i32>} : memref<10000xi32, #tpu.memory_space<vmem>>, vector<16xi32>,
    %get3A_84 = arith.constant 9984 : index
    %get3A_85 = tpu.vector_load %arg13[%get3A_84] {strides = array<i32>} : memref<10000xi32, #tpu.memory_space<vmem>>, vector<16xi32>,
    %shift_right_arithmetic3A = arith.constant 7 : i32
    %shift_right_arithmetic3A_86 = vector.broadcast %shift_right_arithmetic3A : i32 to vector<16xi32>
    %shift_right_arithmetic3A_87 = arith.shrsi %get3A_85, %shift_right_arithmetic3A_86 : vector<16xi32>
    %and3A = arith.constant 127 : i32
    %and3A_88 = vector.broadcast %and3A : i32 to vector<16xi32>
    %and3A_89 = arith.andi %get3A_85, %and3A_88 : vector<16xi32>
    %gather3A = tpu.vector_load_idx %arg8[%get3A_83] : memref<10240xf32, #tpu.memory_space<vmem>>[vector<16xi32>], vector<16xf32>,
    tpu.vector_store_idx %arg10[%shift_right_arithmetic3A_87, %and3A_89], %gather3A {add = true} : memref<128x128xf32, #tpu.memory_space<vmem>>[vector<16xi32>, vector<16xi32>], vector<16xf32>,
    %gather3A_90 = tpu.vector_load_idx %arg9[%get3A_83] : memref<10240xf32, #tpu.memory_space<vmem>>[vector<16xi32>], vector<16xf32>,
    tpu.vector_store_idx %arg11[%shift_right_arithmetic3A_87, %and3A_89], %gather3A_90 {add = true} : memref<128x128xf32, #tpu.memory_space<vmem>>[vector<16xi32>, vector<16xi32>], vector<16xf32>,
    %barrier3A = arith.constant 0 : index
    tpu.barrier barrier_id(%barrier3A)
    %run_scoped3A_91 = arith.constant 0 : i32
    %run_scoped3A_92 = arith.constant 0 : i32
    "tpu.region"() ({
      %run_scoped3A_100 = tpu.sem_alloc : memref<!tpu.dma_semaphore, #tpu.memory_space<semaphore_mem>>
      %dma_start3A = arith.constant 0 : i32
      %dma_start3A_101 = tpu.memref_slice %arg15[%run_scoped3A_92, %dma_start3A] : memref<1x128xi32, #tpu.memory_space<vmem>> -> memref<1x128xi32, #tpu.memory_space<vmem>>
      %dma_start3A_102 = tpu.memref_squeeze %dma_start3A_101 : memref<1x128xi32, #tpu.memory_space<vmem>> -> memref<128xi32, #tpu.memory_space<vmem>>
      %dma_start3A_103 = arith.constant 0 : i32
      %dma_start3A_104 = arith.constant 0 : i32
      %dma_start3A_105 = tpu.memref_slice %arg7[%run_scoped3A_91, %dma_start3A_103, %dma_start3A_104] : memref<2x128x128xf32, #tpu.memory_space<vmem_shared>> -> memref<1x128x128xf32, #tpu.memory_space<vmem_shared>>
      %dma_start3A_106 = tpu.memref_squeeze %dma_start3A_105 : memref<1x128x128xf32, #tpu.memory_space<vmem_shared>> -> memref<128x128xf32, #tpu.memory_space<vmem_shared>>
      %dma_start3A_107 = arith.constant 0 : i32
      %dma_start3A_108 = arith.constant 0 : i32
      %dma_start3A_109 = tpu.memref_slice %dma_start3A_106[%dma_start3A_107, %dma_start3A_108] : memref<128x128xf32, #tpu.memory_space<vmem_shared>> -> memref<128x128xf32, #tpu.memory_space<vmem_shared>>
      tpu.enqueue_indirect_dma source(%arg10 : memref<128x128xf32, #tpu.memory_space<vmem>>) target(%dma_start3A_109 : memref<128x128xf32, #tpu.memory_space<vmem_shared>>) offsets(%dma_start3A_102 : memref<128xi32, #tpu.memory_space<vmem>>) semaphore(%run_scoped3A_100 : memref<!tpu.dma_semaphore, #tpu.memory_space<semaphore_mem>>) {add = true}
      %dma_wait3A = arith.constant 0 : i32
      %dma_wait3A_110 = tpu.memref_slice %arg15[%run_scoped3A_92, %dma_wait3A] : memref<1x128xi32, #tpu.memory_space<vmem>> -> memref<1x128xi32, #tpu.memory_space<vmem>>
      %dma_wait3A_111 = tpu.memref_squeeze %dma_wait3A_110 : memref<1x128xi32, #tpu.memory_space<vmem>> -> memref<128xi32, #tpu.memory_space<vmem>>
      %dma_wait3A_112 = arith.constant 0 : i32
      %dma_wait3A_113 = arith.constant 0 : i32
      %dma_wait3A_114 = tpu.memref_slice %arg7[%run_scoped3A_91, %dma_wait3A_112, %dma_wait3A_113] : memref<2x128x128xf32, #tpu.memory_space<vmem_shared>> -> memref<1x128x128xf32, #tpu.memory_space<vmem_shared>>
      %dma_wait3A_115 = tpu.memref_squeeze %dma_wait3A_114 : memref<1x128x128xf32, #tpu.memory_space<vmem_shared>> -> memref<128x128xf32, #tpu.memory_space<vmem_shared>>
      %dma_wait3A_116 = arith.constant 0 : i32
      %dma_wait3A_117 = arith.constant 0 : i32
      %dma_wait3A_118 = tpu.memref_slice %dma_wait3A_115[%dma_wait3A_116, %dma_wait3A_117] : memref<128x128xf32, #tpu.memory_space<vmem_shared>> -> memref<128x128xf32, #tpu.memory_space<vmem_shared>>
      tpu.wait_indirect_dma semaphore(%run_scoped3A_100 : memref<!tpu.dma_semaphore, #tpu.memory_space<semaphore_mem>>) src(%arg10 : memref<128x128xf32, #tpu.memory_space<vmem>>) dst(%dma_wait3A_118 : memref<128x128xf32, #tpu.memory_space<vmem_shared>>)
      tpu.yield
    }) : () -> ()
    %run_scoped3A_93 = arith.constant 1 : i32
    %run_scoped3A_94 = arith.constant 0 : i32
    "tpu.region"() ({
      %run_scoped3A_100 = tpu.sem_alloc : memref<!tpu.dma_semaphore, #tpu.memory_space<semaphore_mem>>
      %dma_start3A = arith.constant 0 : i32
      %dma_start3A_101 = tpu.memref_slice %arg15[%run_scoped3A_94, %dma_start3A] : memref<1x128xi32, #tpu.memory_space<vmem>> -> memref<1x128xi32, #tpu.memory_space<vmem>>
      %dma_start3A_102 = tpu.memref_squeeze %dma_start3A_101 : memref<1x128xi32, #tpu.memory_space<vmem>> -> memref<128xi32, #tpu.memory_space<vmem>>
      %dma_start3A_103 = arith.constant 0 : i32
      %dma_start3A_104 = arith.constant 0 : i32
      %dma_start3A_105 = tpu.memref_slice %arg7[%run_scoped3A_93, %dma_start3A_103, %dma_start3A_104] : memref<2x128x128xf32, #tpu.memory_space<vmem_shared>> -> memref<1x128x128xf32, #tpu.memory_space<vmem_shared>>
      %dma_start3A_106 = tpu.memref_squeeze %dma_start3A_105 : memref<1x128x128xf32, #tpu.memory_space<vmem_shared>> -> memref<128x128xf32, #tpu.memory_space<vmem_shared>>
      %dma_start3A_107 = arith.constant 0 : i32
      %dma_start3A_108 = arith.constant 0 : i32
      %dma_start3A_109 = tpu.memref_slice %dma_start3A_106[%dma_start3A_107, %dma_start3A_108] : memref<128x128xf32, #tpu.memory_space<vmem_shared>> -> memref<128x128xf32, #tpu.memory_space<vmem_shared>>
      tpu.enqueue_indirect_dma source(%arg11 : memref<128x128xf32, #tpu.memory_space<vmem>>) target(%dma_start3A_109 : memref<128x128xf32, #tpu.memory_space<vmem_shared>>) offsets(%dma_start3A_102 : memref<128xi32, #tpu.memory_space<vmem>>) semaphore(%run_scoped3A_100 : memref<!tpu.dma_semaphore, #tpu.memory_space<semaphore_mem>>) {add = true}
      %dma_wait3A = arith.constant 0 : i32
      %dma_wait3A_110 = tpu.memref_slice %arg15[%run_scoped3A_94, %dma_wait3A] : memref<1x128xi32, #tpu.memory_space<vmem>> -> memref<1x128xi32, #tpu.memory_space<vmem>>
      %dma_wait3A_111 = tpu.memref_squeeze %dma_wait3A_110 : memref<1x128xi32, #tpu.memory_space<vmem>> -> memref<128xi32, #tpu.memory_space<vmem>>
      %dma_wait3A_112 = arith.constant 0 : i32
      %dma_wait3A_113 = arith.constant 0 : i32
      %dma_wait3A_114 = tpu.memref_slice %arg7[%run_scoped3A_93, %dma_wait3A_112, %dma_wait3A_113] : memref<2x128x128xf32, #tpu.memory_space<vmem_shared>> -> memref<1x128x128xf32, #tpu.memory_space<vmem_shared>>
      %dma_wait3A_115 = tpu.memref_squeeze %dma_wait3A_114 : memref<1x128x128xf32, #tpu.memory_space<vmem_shared>> -> memref<128x128xf32, #tpu.memory_space<vmem_shared>>
      %dma_wait3A_116 = arith.constant 0 : i32
      %dma_wait3A_117 = arith.constant 0 : i32
      %dma_wait3A_118 = tpu.memref_slice %dma_wait3A_115[%dma_wait3A_116, %dma_wait3A_117] : memref<128x128xf32, #tpu.memory_space<vmem_shared>> -> memref<128x128xf32, #tpu.memory_space<vmem_shared>>
      tpu.wait_indirect_dma semaphore(%run_scoped3A_100 : memref<!tpu.dma_semaphore, #tpu.memory_space<semaphore_mem>>) src(%arg11 : memref<128x128xf32, #tpu.memory_space<vmem>>) dst(%dma_wait3A_118 : memref<128x128xf32, #tpu.memory_space<vmem_shared>>)
      tpu.yield
    }) : () -> ()
    %barrier3A_95 = arith.constant 0 : index
    tpu.barrier barrier_id(%barrier3A_95)
    %run_scoped3A_96 = arith.constant 0 : i32
    "tpu.region"() ({
      %run_scoped3A_100 = tpu.sem_alloc : memref<!tpu.dma_semaphore, #tpu.memory_space<semaphore_mem>>
      %dma_start3A = arith.constant 0 : i32
      %dma_start3A_101 = tpu.memref_slice %arg7[%run_scoped3A_96, %mul3A_0, %dma_start3A] : memref<2x128x128xf32, #tpu.memory_space<vmem_shared>> -> memref<1x8x128xf32, #tpu.memory_space<vmem_shared>>
      %dma_start3A_102 = tpu.memref_squeeze %dma_start3A_101 : memref<1x8x128xf32, #tpu.memory_space<vmem_shared>> -> memref<8x128xf32, #tpu.memory_space<vmem_shared>>
      %dma_start3A_103 = arith.constant 0 : i32
      %dma_start3A_104 = tpu.memref_slice %arg7[%run_scoped3A_96, %mul3A_0, %dma_start3A_103] : memref<2x128x128xf32, #tpu.memory_space<vmem_shared>> -> memref<1x8x128xf32, #tpu.memory_space<vmem_shared>>
      %dma_start3A_105 = tpu.memref_squeeze %dma_start3A_104 : memref<1x8x128xf32, #tpu.memory_space<vmem_shared>> -> memref<8x128xf32, #tpu.memory_space<vmem_shared>>
      tpu.enqueue_dma source(%dma_start3A_105 : memref<8x128xf32, #tpu.memory_space<vmem_shared>>) target(%arg14 : memref<8x128xf32, #tpu.memory_space<vmem>>) target_semaphore(%run_scoped3A_100 : memref<!tpu.dma_semaphore, #tpu.memory_space<semaphore_mem>>)
      %dma_wait3A = arith.constant 0 : i32
      %dma_wait3A_106 = tpu.memref_slice %arg7[%run_scoped3A_96, %mul3A_0, %dma_wait3A] : memref<2x128x128xf32, #tpu.memory_space<vmem_shared>> -> memref<1x8x128xf32, #tpu.memory_space<vmem_shared>>
      %dma_wait3A_107 = tpu.memref_squeeze %dma_wait3A_106 : memref<1x8x128xf32, #tpu.memory_space<vmem_shared>> -> memref<8x128xf32, #tpu.memory_space<vmem_shared>>
      %dma_wait3A_108 = arith.constant 0 : i32
      %dma_wait3A_109 = tpu.memref_slice %arg7[%run_scoped3A_96, %mul3A_0, %dma_wait3A_108] : memref<2x128x128xf32, #tpu.memory_space<vmem_shared>> -> memref<1x8x128xf32, #tpu.memory_space<vmem_shared>>
      %dma_wait3A_110 = tpu.memref_squeeze %dma_wait3A_109 : memref<1x8x128xf32, #tpu.memory_space<vmem_shared>> -> memref<8x128xf32, #tpu.memory_space<vmem_shared>>
      tpu.wait_dma2 semaphore(%run_scoped3A_100 : memref<!tpu.dma_semaphore, #tpu.memory_space<semaphore_mem>>) src(%dma_wait3A_110 : memref<8x128xf32, #tpu.memory_space<vmem_shared>>) dst(%arg14 : memref<8x128xf32, #tpu.memory_space<vmem>>)
      tpu.yield
    }) : () -> ()
    %run_scoped3A_97 = arith.constant 0 : i32
    "tpu.region"() ({
      %run_scoped3A_100 = tpu.sem_alloc : memref<!tpu.dma_semaphore, #tpu.memory_space<semaphore_mem>>
      %dma_start3A = arith.constant 0 : i32
      %dma_start3A_101 = tpu.memref_slice %arg6[%arg0, %run_scoped3A_97, %mul3A_0, %dma_start3A] : memref<2x2x128x128xf32, #tpu.memory_space<hbm>> -> memref<1x1x8x128xf32, #tpu.memory_space<hbm>>
      %dma_start3A_102 = tpu.memref_squeeze %dma_start3A_101 : memref<1x1x8x128xf32, #tpu.memory_space<hbm>> -> memref<8x128xf32, #tpu.memory_space<hbm>>
      %dma_start3A_103 = arith.constant 0 : i32
      %dma_start3A_104 = tpu.memref_slice %arg6[%arg0, %run_scoped3A_97, %mul3A_0, %dma_start3A_103] : memref<2x2x128x128xf32, #tpu.memory_space<hbm>> -> memref<1x1x8x128xf32, #tpu.memory_space<hbm>>
      %dma_start3A_105 = tpu.memref_squeeze %dma_start3A_104 : memref<1x1x8x128xf32, #tpu.memory_space<hbm>> -> memref<8x128xf32, #tpu.memory_space<hbm>>
      tpu.enqueue_dma source(%arg14 : memref<8x128xf32, #tpu.memory_space<vmem>>) target(%dma_start3A_105 : memref<8x128xf32, #tpu.memory_space<hbm>>) target_semaphore(%run_scoped3A_100 : memref<!tpu.dma_semaphore, #tpu.memory_space<semaphore_mem>>)
      %dma_wait3A = arith.constant 0 : i32
      %dma_wait3A_106 = tpu.memref_slice %arg6[%arg0, %run_scoped3A_97, %mul3A_0, %dma_wait3A] : memref<2x2x128x128xf32, #tpu.memory_space<hbm>> -> memref<1x1x8x128xf32, #tpu.memory_space<hbm>>
      %dma_wait3A_107 = tpu.memref_squeeze %dma_wait3A_106 : memref<1x1x8x128xf32, #tpu.memory_space<hbm>> -> memref<8x128xf32, #tpu.memory_space<hbm>>
      %dma_wait3A_108 = arith.constant 0 : i32
      %dma_wait3A_109 = tpu.memref_slice %arg6[%arg0, %run_scoped3A_97, %mul3A_0, %dma_wait3A_108] : memref<2x2x128x128xf32, #tpu.memory_space<hbm>> -> memref<1x1x8x128xf32, #tpu.memory_space<hbm>>
      %dma_wait3A_110 = tpu.memref_squeeze %dma_wait3A_109 : memref<1x1x8x128xf32, #tpu.memory_space<hbm>> -> memref<8x128xf32, #tpu.memory_space<hbm>>
      tpu.wait_dma2 semaphore(%run_scoped3A_100 : memref<!tpu.dma_semaphore, #tpu.memory_space<semaphore_mem>>) src(%arg14 : memref<8x128xf32, #tpu.memory_space<vmem>>) dst(%dma_wait3A_110 : memref<8x128xf32, #tpu.memory_space<hbm>>)
      tpu.yield
    }) : () -> ()
    %run_scoped3A_98 = arith.constant 1 : i32
    "tpu.region"() ({
      %run_scoped3A_100 = tpu.sem_alloc : memref<!tpu.dma_semaphore, #tpu.memory_space<semaphore_mem>>
      %dma_start3A = arith.constant 0 : i32
      %dma_start3A_101 = tpu.memref_slice %arg7[%run_scoped3A_98, %mul3A_0, %dma_start3A] : memref<2x128x128xf32, #tpu.memory_space<vmem_shared>> -> memref<1x8x128xf32, #tpu.memory_space<vmem_shared>>
      %dma_start3A_102 = tpu.memref_squeeze %dma_start3A_101 : memref<1x8x128xf32, #tpu.memory_space<vmem_shared>> -> memref<8x128xf32, #tpu.memory_space<vmem_shared>>
      %dma_start3A_103 = arith.constant 0 : i32
      %dma_start3A_104 = tpu.memref_slice %arg7[%run_scoped3A_98, %mul3A_0, %dma_start3A_103] : memref<2x128x128xf32, #tpu.memory_space<vmem_shared>> -> memref<1x8x128xf32, #tpu.memory_space<vmem_shared>>
      %dma_start3A_105 = tpu.memref_squeeze %dma_start3A_104 : memref<1x8x128xf32, #tpu.memory_space<vmem_shared>> -> memref<8x128xf32, #tpu.memory_space<vmem_shared>>
      tpu.enqueue_dma source(%dma_start3A_105 : memref<8x128xf32, #tpu.memory_space<vmem_shared>>) target(%arg14 : memref<8x128xf32, #tpu.memory_space<vmem>>) target_semaphore(%run_scoped3A_100 : memref<!tpu.dma_semaphore, #tpu.memory_space<semaphore_mem>>)
      %dma_wait3A = arith.constant 0 : i32
      %dma_wait3A_106 = tpu.memref_slice %arg7[%run_scoped3A_98, %mul3A_0, %dma_wait3A] : memref<2x128x128xf32, #tpu.memory_space<vmem_shared>> -> memref<1x8x128xf32, #tpu.memory_space<vmem_shared>>
      %dma_wait3A_107 = tpu.memref_squeeze %dma_wait3A_106 : memref<1x8x128xf32, #tpu.memory_space<vmem_shared>> -> memref<8x128xf32, #tpu.memory_space<vmem_shared>>
      %dma_wait3A_108 = arith.constant 0 : i32
      %dma_wait3A_109 = tpu.memref_slice %arg7[%run_scoped3A_98, %mul3A_0, %dma_wait3A_108] : memref<2x128x128xf32, #tpu.memory_space<vmem_shared>> -> memref<1x8x128xf32, #tpu.memory_space<vmem_shared>>
      %dma_wait3A_110 = tpu.memref_squeeze %dma_wait3A_109 : memref<1x8x128xf32, #tpu.memory_space<vmem_shared>> -> memref<8x128xf32, #tpu.memory_space<vmem_shared>>
      tpu.wait_dma2 semaphore(%run_scoped3A_100 : memref<!tpu.dma_semaphore, #tpu.memory_space<semaphore_mem>>) src(%dma_wait3A_110 : memref<8x128xf32, #tpu.memory_space<vmem_shared>>) dst(%arg14 : memref<8x128xf32, #tpu.memory_space<vmem>>)
      tpu.yield
    }) : () -> ()
    %run_scoped3A_99 = arith.constant 1 : i32
    "tpu.region"() ({
      %run_scoped3A_100 = tpu.sem_alloc : memref<!tpu.dma_semaphore, #tpu.memory_space<semaphore_mem>>
      %dma_start3A = arith.constant 0 : i32
      %dma_start3A_101 = tpu.memref_slice %arg6[%arg0, %run_scoped3A_99, %mul3A_0, %dma_start3A] : memref<2x2x128x128xf32, #tpu.memory_space<hbm>> -> memref<1x1x8x128xf32, #tpu.memory_space<hbm>>
      %dma_start3A_102 = tpu.memref_squeeze %dma_start3A_101 : memref<1x1x8x128xf32, #tpu.memory_space<hbm>> -> memref<8x128xf32, #tpu.memory_space<hbm>>
      %dma_start3A_103 = arith.constant 0 : i32
      %dma_start3A_104 = tpu.memref_slice %arg6[%arg0, %run_scoped3A_99, %mul3A_0, %dma_start3A_103] : memref<2x2x128x128xf32, #tpu.memory_space<hbm>> -> memref<1x1x8x128xf32, #tpu.memory_space<hbm>>
      %dma_start3A_105 = tpu.memref_squeeze %dma_start3A_104 : memref<1x1x8x128xf32, #tpu.memory_space<hbm>> -> memref<8x128xf32, #tpu.memory_space<hbm>>
      tpu.enqueue_dma source(%arg14 : memref<8x128xf32, #tpu.memory_space<vmem>>) target(%dma_start3A_105 : memref<8x128xf32, #tpu.memory_space<hbm>>) target_semaphore(%run_scoped3A_100 : memref<!tpu.dma_semaphore, #tpu.memory_space<semaphore_mem>>)
      %dma_wait3A = arith.constant 0 : i32
      %dma_wait3A_106 = tpu.memref_slice %arg6[%arg0, %run_scoped3A_99, %mul3A_0, %dma_wait3A] : memref<2x2x128x128xf32, #tpu.memory_space<hbm>> -> memref<1x1x8x128xf32, #tpu.memory_space<hbm>>
      %dma_wait3A_107 = tpu.memref_squeeze %dma_wait3A_106 : memref<1x1x8x128xf32, #tpu.memory_space<hbm>> -> memref<8x128xf32, #tpu.memory_space<hbm>>
      %dma_wait3A_108 = arith.constant 0 : i32
      %dma_wait3A_109 = tpu.memref_slice %arg6[%arg0, %run_scoped3A_99, %mul3A_0, %dma_wait3A_108] : memref<2x2x128x128xf32, #tpu.memory_space<hbm>> -> memref<1x1x8x128xf32, #tpu.memory_space<hbm>>
      %dma_wait3A_110 = tpu.memref_squeeze %dma_wait3A_109 : memref<1x1x8x128xf32, #tpu.memory_space<hbm>> -> memref<8x128xf32, #tpu.memory_space<hbm>>
      tpu.wait_dma2 semaphore(%run_scoped3A_100 : memref<!tpu.dma_semaphore, #tpu.memory_space<semaphore_mem>>) src(%arg14 : memref<8x128xf32, #tpu.memory_space<vmem>>) dst(%dma_wait3A_110 : memref<8x128xf32, #tpu.memory_space<hbm>>)
      tpu.yield
    }) : () -> ()
    return
  }
}

module attributes {stable_mosaic.version = 14 : i64} {
  func.func @_b_body(%arg0: i32, %arg1: memref<10000x128xf32, #tpu.memory_space<vmem>>, %arg2: memref<128x128xf32, #tpu.memory_space<vmem>>, %arg3: memref<2x10240x1xi32, #tpu.memory_space<vmem>>, %arg4: memref<10240x128xf32, #tpu.memory_space<vmem>>, %arg5: memref<10240x1xf32, #tpu.memory_space<vmem>>) attributes {dimension_semantics = [#tpu.dimension_semantics<arbitrary>], iteration_bounds = array<i64: 1>, scalar_prefetch = 0 : i64, scratch_operands = 0 : i64, tpu.core_type = #tpu.core_type<tc>, window_params = [{pipeline_mode = #tpu.pipeline_mode<synchronous>, transform_indices = @transform_0, window_bounds = array<i64: 10000, 128>}, {pipeline_mode = #tpu.pipeline_mode<synchronous>, transform_indices = @transform_1, window_bounds = array<i64: 128, 128>}, {pipeline_mode = #tpu.pipeline_mode<synchronous>, transform_indices = @transform_2, window_bounds = array<i64: 2, 10240, 1>}, {pipeline_mode = #tpu.pipeline_mode<synchronous>, transform_indices = @transform_3, window_bounds = array<i64: 10240, 128>}, {pipeline_mode = #tpu.pipeline_mode<synchronous>, transform_indices = @transform_4, window_bounds = array<i64: 10240, 1>}]} {
    %get3A = arith.constant 0 : index
    %get3A_0 = arith.constant 0 : index
    %get3A_1 = arith.constant 0 : index
    %get3A_2 = vector.load %arg3[%get3A, %get3A_0, %get3A_1] : memref<2x10240x1xi32, #tpu.memory_space<vmem>>, vector<1x10240x1xi32>
    %get3A_3 = vector.shape_cast %get3A_2 : vector<1x10240x1xi32> to vector<10240xi32>
    %get3A_4 = arith.constant 1 : index
    %get3A_5 = arith.constant 0 : index
    %get3A_6 = arith.constant 0 : index
    %get3A_7 = vector.load %arg3[%get3A_4, %get3A_5, %get3A_6] : memref<2x10240x1xi32, #tpu.memory_space<vmem>>, vector<1x10240x1xi32>
    %get3A_8 = vector.shape_cast %get3A_7 : vector<1x10240x1xi32> to vector<10240xi32>
    %add3A = arith.addi %get3A_3, %get3A_8 : vector<10240xi32>
    %add3A_9 = arith.constant 1 : i32
    %add3A_10 = vector.broadcast %add3A_9 : i32 to vector<10240xi32>
    %add3A_11 = arith.addi %add3A, %add3A_10 : vector<10240xi32>
    %convert_element_type3A = arith.sitofp %add3A_11 : vector<10240xi32> to vector<10240xf32>
    %rsqrt3A = math.rsqrt %convert_element_type3A : vector<10240xf32>
    %broadcast_in_dim3A = vector.shape_cast %rsqrt3A : vector<10240xf32> to vector<10240x1xf32>
    %get3A_12 = arith.constant 0 : index
    %get3A_13 = arith.constant 0 : index
    %get3A_14 = vector.load %arg1[%get3A_12, %get3A_13] : memref<10000x128xf32, #tpu.memory_space<vmem>>, vector<10000x128xf32>
    %get3A_15 = arith.constant 0 : index
    %get3A_16 = arith.constant 0 : index
    %get3A_17 = vector.load %arg2[%get3A_15, %get3A_16] : memref<128x128xf32, #tpu.memory_space<vmem>>, vector<128x128xf32>
    %dot_general3A = arith.constant dense<0.000000e+00> : vector<10000x128xf32>
    %dot_general3A_18 = tpu.matmul %get3A_14, %get3A_17, %dot_general3A {dimension_numbers = #tpu.dot_dimension_numbers<[1], [0], [0], [1], [0, 0, 1, 1], [], []>, transpose_lhs_hint = false} : vector<10000x128xf32>, vector<128x128xf32>, vector<10000x128xf32> -> vector<10000x128xf32>
    %slice3A = vector.extract_strided_slice %broadcast_in_dim3A {offsets = [0, 0], sizes = [10000, 1], strides = [1, 1]} : vector<10240x1xf32> to vector<10000x1xf32>
    %mul3A = vector.broadcast %slice3A : vector<10000x1xf32> to vector<10000x128xf32>
    %mul3A_19 = arith.mulf %dot_general3A_18, %mul3A : vector<10000x128xf32>
    %swap3A = arith.constant 0 : index
    %swap3A_20 = arith.constant 0 : index
    %swap3A_21 = vector.load %arg4[%swap3A, %swap3A_20] : memref<10240x128xf32, #tpu.memory_space<vmem>>, vector<10000x128xf32>
    tpu.vector_store %arg4[%swap3A, %swap3A_20], %mul3A_19 {strides = array<i32>} : memref<10240x128xf32, #tpu.memory_space<vmem>>, vector<10000x128xf32>,
    %broadcast_in_dim3A_22 = arith.constant 0.000000e+00 : f32
    %broadcast_in_dim3A_23 = vector.broadcast %broadcast_in_dim3A_22 : f32 to vector<240x128xf32>
    %swap3A_24 = arith.constant 10000 : index
    %swap3A_25 = arith.constant 0 : index
    %swap3A_26 = vector.load %arg4[%swap3A_24, %swap3A_25] : memref<10240x128xf32, #tpu.memory_space<vmem>>, vector<240x128xf32>
    tpu.vector_store %arg4[%swap3A_24, %swap3A_25], %broadcast_in_dim3A_23 {strides = array<i32>} : memref<10240x128xf32, #tpu.memory_space<vmem>>, vector<240x128xf32>,
    %swap3A_27 = arith.constant 0 : index
    %swap3A_28 = arith.constant 0 : index
    %swap3A_29 = vector.load %arg5[%swap3A_27, %swap3A_28] : memref<10240x1xf32, #tpu.memory_space<vmem>>, vector<10240x1xf32>
    tpu.vector_store %arg5[%swap3A_27, %swap3A_28], %broadcast_in_dim3A {strides = array<i32>} : memref<10240x1xf32, #tpu.memory_space<vmem>>, vector<10240x1xf32>,
    return
  }
  func.func @transform_0(%arg0: i32) -> (i32, i32) {
    %c0_i32 = arith.constant 0 : i32
    %c0_i32_0 = arith.constant 0 : i32
    %c0_i32_1 = arith.constant 0 : i32
    return %c0_i32, %c0_i32_0 : i32, i32
  }
  func.func @transform_1(%arg0: i32) -> (i32, i32) {
    %c0_i32 = arith.constant 0 : i32
    %c0_i32_0 = arith.constant 0 : i32
    %c0_i32_1 = arith.constant 0 : i32
    return %c0_i32, %c0_i32_0 : i32, i32
  }
  func.func @transform_2(%arg0: i32) -> (i32, i32, i32) {
    %c0_i32 = arith.constant 0 : i32
    %c0_i32_0 = arith.constant 0 : i32
    %c0_i32_1 = arith.constant 0 : i32
    %c0_i32_2 = arith.constant 0 : i32
    return %c0_i32, %c0_i32_0, %c0_i32_1 : i32, i32, i32
  }
  func.func @transform_3(%arg0: i32) -> (i32, i32) {
    %c0_i32 = arith.constant 0 : i32
    %c0_i32_0 = arith.constant 0 : i32
    %c0_i32_1 = arith.constant 0 : i32
    return %c0_i32, %c0_i32_0 : i32, i32
  }
  func.func @transform_4(%arg0: i32) -> (i32, i32) {
    %c0_i32 = arith.constant 0 : i32
    %c0_i32_0 = arith.constant 0 : i32
    %c0_i32_1 = arith.constant 0 : i32
    return %c0_i32, %c0_i32_0 : i32, i32
  }
}

module attributes {stable_mosaic.version = 14 : i64} {
  func.func @_d_body(%arg0: i32, %arg1: memref<2x10240x128xf32, #tpu.memory_space<vmem>>, %arg2: memref<10240x128xf32, #tpu.memory_space<vmem>>, %arg3: memref<10240x1xf32, #tpu.memory_space<vmem>>, %arg4: memref<1x128xf32, #tpu.memory_space<vmem>>, %arg5: memref<128x128xf32, #tpu.memory_space<vmem>>, %arg6: memref<10240x1xf32, #tpu.memory_space<vmem>>, %arg7: memref<10240x1xf32, #tpu.memory_space<vmem>>) attributes {dimension_semantics = [#tpu.dimension_semantics<arbitrary>], iteration_bounds = array<i64: 1>, scalar_prefetch = 0 : i64, scratch_operands = 0 : i64, tpu.core_type = #tpu.core_type<tc>, window_params = [{pipeline_mode = #tpu.pipeline_mode<synchronous>, transform_indices = @transform_0, window_bounds = array<i64: 2, 10240, 128>}, {pipeline_mode = #tpu.pipeline_mode<synchronous>, transform_indices = @transform_1, window_bounds = array<i64: 10240, 128>}, {pipeline_mode = #tpu.pipeline_mode<synchronous>, transform_indices = @transform_2, window_bounds = array<i64: 10240, 1>}, {pipeline_mode = #tpu.pipeline_mode<synchronous>, transform_indices = @transform_3, window_bounds = array<i64: 1, 128>}, {pipeline_mode = #tpu.pipeline_mode<synchronous>, transform_indices = @transform_4, window_bounds = array<i64: 128, 128>}, {pipeline_mode = #tpu.pipeline_mode<synchronous>, transform_indices = @transform_5, window_bounds = array<i64: 10240, 1>}, {pipeline_mode = #tpu.pipeline_mode<synchronous>, transform_indices = @transform_6, window_bounds = array<i64: 10240, 1>}]} {
    %get3A = arith.constant 0 : index
    %get3A_0 = arith.constant 0 : index
    %get3A_1 = vector.load %arg3[%get3A, %get3A_0] : memref<10240x1xf32, #tpu.memory_space<vmem>>, vector<10240x1xf32>
    %get3A_2 = arith.constant 0 : index
    %get3A_3 = arith.constant 0 : index
    %get3A_4 = arith.constant 0 : index
    %get3A_5 = vector.load %arg1[%get3A_2, %get3A_3, %get3A_4] : memref<2x10240x128xf32, #tpu.memory_space<vmem>>, vector<1x10240x128xf32>
    %get3A_6 = vector.shape_cast %get3A_5 : vector<1x10240x128xf32> to vector<10240x128xf32>
    %get3A_7 = arith.constant 1 : index
    %get3A_8 = arith.constant 0 : index
    %get3A_9 = arith.constant 0 : index
    %get3A_10 = vector.load %arg1[%get3A_7, %get3A_8, %get3A_9] : memref<2x10240x128xf32, #tpu.memory_space<vmem>>, vector<1x10240x128xf32>
    %get3A_11 = vector.shape_cast %get3A_10 : vector<1x10240x128xf32> to vector<10240x128xf32>
    %add3A = arith.addf %get3A_6, %get3A_11 : vector<10240x128xf32>
    %get3A_12 = arith.constant 0 : index
    %get3A_13 = arith.constant 0 : index
    %get3A_14 = vector.load %arg2[%get3A_12, %get3A_13] : memref<10240x128xf32, #tpu.memory_space<vmem>>, vector<10240x128xf32>
    %sub3A = arith.subf %add3A, %get3A_14 : vector<10240x128xf32>
    %mul3A = vector.broadcast %get3A_1 : vector<10240x1xf32> to vector<10240x128xf32>
    %mul3A_15 = arith.mulf %sub3A, %mul3A : vector<10240x128xf32>
    %get3A_16 = arith.constant 0 : index
    %get3A_17 = arith.constant 0 : index
    %get3A_18 = vector.load %arg4[%get3A_16, %get3A_17] : memref<1x128xf32, #tpu.memory_space<vmem>>, vector<1x128xf32>
    %add3A_19 = vector.broadcast %get3A_18 : vector<1x128xf32> to vector<10240x128xf32>
    %add3A_20 = arith.addf %mul3A_15, %add3A_19 : vector<10240x128xf32>
    %max3A = arith.constant 0.000000e+00 : f32
    %max3A_21 = vector.broadcast %max3A : f32 to vector<10240x128xf32>
    %max3A_22 = arith.maximumf %add3A_20, %max3A_21 : vector<10240x128xf32>
    %get3A_23 = arith.constant 0 : index
    %get3A_24 = arith.constant 0 : index
    %get3A_25 = vector.load %arg5[%get3A_23, %get3A_24] : memref<128x128xf32, #tpu.memory_space<vmem>>, vector<128x128xf32>
    %dot_general3A = arith.constant dense<0.000000e+00> : vector<10240x128xf32>
    %dot_general3A_26 = tpu.matmul %max3A_22, %get3A_25, %dot_general3A {dimension_numbers = #tpu.dot_dimension_numbers<[1], [0], [0], [1], [0, 0, 1, 1], [], []>, transpose_lhs_hint = false} : vector<10240x128xf32>, vector<128x128xf32>, vector<10240x128xf32> -> vector<10240x128xf32>
    %slice3A = vector.extract_strided_slice %dot_general3A_26 {offsets = [0, 0], sizes = [10240, 1], strides = [1, 1]} : vector<10240x128xf32> to vector<10240x1xf32>
    %mul3A_27 = arith.mulf %slice3A, %get3A_1 : vector<10240x1xf32>
    %swap3A = arith.constant 0 : index
    %swap3A_28 = arith.constant 0 : index
    %swap3A_29 = vector.load %arg6[%swap3A, %swap3A_28] : memref<10240x1xf32, #tpu.memory_space<vmem>>, vector<10240x1xf32>
    tpu.vector_store %arg6[%swap3A, %swap3A_28], %mul3A_27 {strides = array<i32>} : memref<10240x1xf32, #tpu.memory_space<vmem>>, vector<10240x1xf32>,
    %slice3A_30 = vector.extract_strided_slice %dot_general3A_26 {offsets = [0, 1], sizes = [10240, 1], strides = [1, 1]} : vector<10240x128xf32> to vector<10240x1xf32>
    %mul3A_31 = arith.mulf %slice3A_30, %get3A_1 : vector<10240x1xf32>
    %swap3A_32 = arith.constant 0 : index
    %swap3A_33 = arith.constant 0 : index
    %swap3A_34 = vector.load %arg7[%swap3A_32, %swap3A_33] : memref<10240x1xf32, #tpu.memory_space<vmem>>, vector<10240x1xf32>
    tpu.vector_store %arg7[%swap3A_32, %swap3A_33], %mul3A_31 {strides = array<i32>} : memref<10240x1xf32, #tpu.memory_space<vmem>>, vector<10240x1xf32>,
    return
  }
  func.func @transform_0(%arg0: i32) -> (i32, i32, i32) {
    %c0_i32 = arith.constant 0 : i32
    %c0_i32_0 = arith.constant 0 : i32
    %c0_i32_1 = arith.constant 0 : i32
    %c0_i32_2 = arith.constant 0 : i32
    return %c0_i32, %c0_i32_0, %c0_i32_1 : i32, i32, i32
  }
  func.func @transform_1(%arg0: i32) -> (i32, i32) {
    %c0_i32 = arith.constant 0 : i32
    %c0_i32_0 = arith.constant 0 : i32
    %c0_i32_1 = arith.constant 0 : i32
    return %c0_i32, %c0_i32_0 : i32, i32
  }
  func.func @transform_2(%arg0: i32) -> (i32, i32) {
    %c0_i32 = arith.constant 0 : i32
    %c0_i32_0 = arith.constant 0 : i32
    %c0_i32_1 = arith.constant 0 : i32
    return %c0_i32, %c0_i32_0 : i32, i32
  }
  func.func @transform_3(%arg0: i32) -> (i32, i32) {
    %c0_i32 = arith.constant 0 : i32
    %c0_i32_0 = arith.constant 0 : i32
    %c0_i32_1 = arith.constant 0 : i32
    return %c0_i32, %c0_i32_0 : i32, i32
  }
  func.func @transform_4(%arg0: i32) -> (i32, i32) {
    %c0_i32 = arith.constant 0 : i32
    %c0_i32_0 = arith.constant 0 : i32
    %c0_i32_1 = arith.constant 0 : i32
    return %c0_i32, %c0_i32_0 : i32, i32
  }
  func.func @transform_5(%arg0: i32) -> (i32, i32) {
    %c0_i32 = arith.constant 0 : i32
    %c0_i32_0 = arith.constant 0 : i32
    %c0_i32_1 = arith.constant 0 : i32
    return %c0_i32, %c0_i32_0 : i32, i32
  }
  func.func @transform_6(%arg0: i32) -> (i32, i32) {
    %c0_i32 = arith.constant 0 : i32
    %c0_i32_0 = arith.constant 0 : i32
    %c0_i32_1 = arith.constant 0 : i32
    return %c0_i32, %c0_i32_0 : i32, i32
  }
}

module attributes {stable_mosaic.version = 14 : i64} {
  func.func @_f_body(%arg0: i32, %arg1: memref<2x2x80x128xf32, #tpu.memory_space<vmem>>, %arg2: memref<80x128xf32, #tpu.memory_space<vmem>>, %arg3: memref<80x128xf32, #tpu.memory_space<vmem>>, %arg4: memref<80x128xf32, #tpu.memory_space<vmem>>, %arg5: memref<2xf32, #tpu.memory_space<smem>>, %arg6: memref<80x128xf32, #tpu.memory_space<vmem>>, %arg7: memref<80x128xf32, #tpu.memory_space<vmem>>) attributes {dimension_semantics = [#tpu.dimension_semantics<arbitrary>], iteration_bounds = array<i64: 1>, scalar_prefetch = 0 : i64, scratch_operands = 0 : i64, tpu.core_type = #tpu.core_type<tc>, window_params = [{pipeline_mode = #tpu.pipeline_mode<synchronous>, transform_indices = @transform_0, window_bounds = array<i64: 2, 2, 80, 128>}, {pipeline_mode = #tpu.pipeline_mode<synchronous>, transform_indices = @transform_1, window_bounds = array<i64: 80, 128>}, {pipeline_mode = #tpu.pipeline_mode<synchronous>, transform_indices = @transform_2, window_bounds = array<i64: 80, 128>}, {pipeline_mode = #tpu.pipeline_mode<synchronous>, transform_indices = @transform_3, window_bounds = array<i64: 80, 128>}, {transform_indices = @transform_4, window_bounds = array<i64: 2>}, {pipeline_mode = #tpu.pipeline_mode<synchronous>, transform_indices = @transform_5, window_bounds = array<i64: 80, 128>}, {pipeline_mode = #tpu.pipeline_mode<synchronous>, transform_indices = @transform_6, window_bounds = array<i64: 80, 128>}]} {
    %get3A = arith.constant 0 : index
    %get3A_0 = arith.constant 0 : index
    %get3A_1 = vector.load %arg4[%get3A, %get3A_0] : memref<80x128xf32, #tpu.memory_space<vmem>>, vector<80x128xf32>
    %get3A_2 = arith.constant 0 : index
    %get3A_3 = arith.constant 0 : index
    %get3A_4 = arith.constant 0 : index
    %get3A_5 = arith.constant 0 : index
    %get3A_6 = vector.load %arg1[%get3A_2, %get3A_3, %get3A_4, %get3A_5] : memref<2x2x80x128xf32, #tpu.memory_space<vmem>>, vector<1x1x80x128xf32>
    %get3A_7 = vector.shape_cast %get3A_6 : vector<1x1x80x128xf32> to vector<80x128xf32>
    %get3A_8 = arith.constant 1 : index
    %get3A_9 = arith.constant 0 : index
    %get3A_10 = arith.constant 0 : index
    %get3A_11 = arith.constant 0 : index
    %get3A_12 = vector.load %arg1[%get3A_8, %get3A_9, %get3A_10, %get3A_11] : memref<2x2x80x128xf32, #tpu.memory_space<vmem>>, vector<1x1x80x128xf32>
    %get3A_13 = vector.shape_cast %get3A_12 : vector<1x1x80x128xf32> to vector<80x128xf32>
    %add3A = arith.addf %get3A_7, %get3A_13 : vector<80x128xf32>
    %get3A_14 = arith.constant 0 : index
    %get3A_15 = arith.constant 0 : index
    %get3A_16 = vector.load %arg2[%get3A_14, %get3A_15] : memref<80x128xf32, #tpu.memory_space<vmem>>, vector<80x128xf32>
    %add3A_17 = arith.addf %add3A, %get3A_16 : vector<80x128xf32>
    %mul3A = arith.mulf %get3A_1, %add3A_17 : vector<80x128xf32>
    %get3A_18 = arith.constant 0 : index
    %get3A_19 = memref.load %arg5[%get3A_18] : memref<2xf32, #tpu.memory_space<smem>>
    %add3A_20 = vector.broadcast %get3A_19 : f32 to vector<80x128xf32>
    %add3A_21 = arith.addf %mul3A, %add3A_20 : vector<80x128xf32>
    %get3A_22 = arith.constant 0 : index
    %get3A_23 = arith.constant 1 : index
    %get3A_24 = arith.constant 0 : index
    %get3A_25 = arith.constant 0 : index
    %get3A_26 = vector.load %arg1[%get3A_22, %get3A_23, %get3A_24, %get3A_25] : memref<2x2x80x128xf32, #tpu.memory_space<vmem>>, vector<1x1x80x128xf32>
    %get3A_27 = vector.shape_cast %get3A_26 : vector<1x1x80x128xf32> to vector<80x128xf32>
    %get3A_28 = arith.constant 1 : index
    %get3A_29 = arith.constant 1 : index
    %get3A_30 = arith.constant 0 : index
    %get3A_31 = arith.constant 0 : index
    %get3A_32 = vector.load %arg1[%get3A_28, %get3A_29, %get3A_30, %get3A_31] : memref<2x2x80x128xf32, #tpu.memory_space<vmem>>, vector<1x1x80x128xf32>
    %get3A_33 = vector.shape_cast %get3A_32 : vector<1x1x80x128xf32> to vector<80x128xf32>
    %add3A_34 = arith.addf %get3A_27, %get3A_33 : vector<80x128xf32>
    %get3A_35 = arith.constant 0 : index
    %get3A_36 = arith.constant 0 : index
    %get3A_37 = vector.load %arg3[%get3A_35, %get3A_36] : memref<80x128xf32, #tpu.memory_space<vmem>>, vector<80x128xf32>
    %add3A_38 = arith.addf %add3A_34, %get3A_37 : vector<80x128xf32>
    %mul3A_39 = arith.mulf %get3A_1, %add3A_38 : vector<80x128xf32>
    %get3A_40 = arith.constant 1 : index
    %get3A_41 = memref.load %arg5[%get3A_40] : memref<2xf32, #tpu.memory_space<smem>>
    %add3A_42 = vector.broadcast %get3A_41 : f32 to vector<80x128xf32>
    %add3A_43 = arith.addf %mul3A_39, %add3A_42 : vector<80x128xf32>
    %max3A = arith.maximumf %add3A_21, %add3A_43 : vector<80x128xf32>
    %sub3A = arith.subf %add3A_21, %max3A : vector<80x128xf32>
    %exp3A = math.exp %sub3A : vector<80x128xf32>
    %sub3A_44 = arith.subf %add3A_43, %max3A : vector<80x128xf32>
    %exp3A_45 = math.exp %sub3A_44 : vector<80x128xf32>
    %add3A_46 = arith.addf %exp3A, %exp3A_45 : vector<80x128xf32>
    %log3A = math.log %add3A_46 : vector<80x128xf32>
    %add3A_47 = arith.addf %max3A, %log3A : vector<80x128xf32>
    %sub3A_48 = arith.subf %add3A_21, %add3A_47 : vector<80x128xf32>
    %swap3A = arith.constant 0 : index
    %swap3A_49 = arith.constant 0 : index
    %swap3A_50 = vector.load %arg6[%swap3A, %swap3A_49] : memref<80x128xf32, #tpu.memory_space<vmem>>, vector<80x128xf32>
    tpu.vector_store %arg6[%swap3A, %swap3A_49], %sub3A_48 {strides = array<i32>} : memref<80x128xf32, #tpu.memory_space<vmem>>, vector<80x128xf32>,
    %sub3A_51 = arith.subf %add3A_43, %add3A_47 : vector<80x128xf32>
    %swap3A_52 = arith.constant 0 : index
    %swap3A_53 = arith.constant 0 : index
    %swap3A_54 = vector.load %arg7[%swap3A_52, %swap3A_53] : memref<80x128xf32, #tpu.memory_space<vmem>>, vector<80x128xf32>
    tpu.vector_store %arg7[%swap3A_52, %swap3A_53], %sub3A_51 {strides = array<i32>} : memref<80x128xf32, #tpu.memory_space<vmem>>, vector<80x128xf32>,
    return
  }
  func.func @transform_0(%arg0: i32) -> (i32, i32, i32, i32) {
    %c0_i32 = arith.constant 0 : i32
    %c0_i32_0 = arith.constant 0 : i32
    %c0_i32_1 = arith.constant 0 : i32
    %c0_i32_2 = arith.constant 0 : i32
    %c0_i32_3 = arith.constant 0 : i32
    return %c0_i32, %c0_i32_0, %c0_i32_1, %c0_i32_2 : i32, i32, i32, i32
  }
  func.func @transform_1(%arg0: i32) -> (i32, i32) {
    %c0_i32 = arith.constant 0 : i32
    %c0_i32_0 = arith.constant 0 : i32
    %c0_i32_1 = arith.constant 0 : i32
    return %c0_i32, %c0_i32_0 : i32, i32
  }
  func.func @transform_2(%arg0: i32) -> (i32, i32) {
    %c0_i32 = arith.constant 0 : i32
    %c0_i32_0 = arith.constant 0 : i32
    %c0_i32_1 = arith.constant 0 : i32
    return %c0_i32, %c0_i32_0 : i32, i32
  }
  func.func @transform_3(%arg0: i32) -> (i32, i32) {
    %c0_i32 = arith.constant 0 : i32
    %c0_i32_0 = arith.constant 0 : i32
    %c0_i32_1 = arith.constant 0 : i32
    return %c0_i32, %c0_i32_0 : i32, i32
  }
  func.func @transform_4(%arg0: i32) -> i32 {
    %c0_i32 = arith.constant 0 : i32
    %c0_i32_0 = arith.constant 0 : i32
    return %c0_i32 : i32
  }
  func.func @transform_5(%arg0: i32) -> (i32, i32) {
    %c0_i32 = arith.constant 0 : i32
    %c0_i32_0 = arith.constant 0 : i32
    %c0_i32_1 = arith.constant 0 : i32
    return %c0_i32, %c0_i32_0 : i32, i32
  }
  func.func @transform_6(%arg0: i32) -> (i32, i32) {
    %c0_i32 = arith.constant 0 : i32
    %c0_i32_0 = arith.constant 0 : i32
    %c0_i32_1 = arith.constant 0 : i32
    return %c0_i32, %c0_i32_0 : i32, i32
  }
}

</mosaic_0001>

<sc_bundles>
// kernel: kernel.11.cloned.1.call-start
scs
__scs_entry_jumppad:
0x0: {  	(pc) =	sbr.rel $0x88, $3  }
0x1: {  	(tag) =	ssettag $0x0;
	lr =	simm.s32 $0x1  }
0x2: {  	[smem:$0x3F9B] =	sst lr;
	_ =	strace $0xD0000000  }
0x3: {  	_ = 	snop  }
0x4: {  	_ = 	snop  }
0x5: {  	_ = 	snop  }
0x6: {  	_ = 	snop  }
0x7: {  	_ = 	snop  }
__scs_overlays_trampoline_lowered:
0x8: {  	[smem:$0x3FAA] =	sst s0  }
0x9: {  	[smem:$0x3FAB] =	sst s1  }
0xa: {  	[smem:$0x3FAC] =	sst s2  }
0xb: {  	[smem:$0x3FAD] =	sst s3  }
0xc: {  	[smem:$0x3FAE] =	sst s4  }
0xd: {  	[smem:$0x3FAF] =	sst s5  }
0xe: {  	[smem:$0x3FB0] =	sst s6  }
0xf: {  	[smem:$0x3FB1] =	sst s7  }
0x10: {  	[smem:$0x3FB2] =	sst s8  }
0x11: {  	[smem:$0x3FB3] =	sst s9;
	s0 =	simm.s32 @!p0 $0x0  }
0x12: {  	s1 =	sld [smem:$0x3F99];
	s0 =	simm.s32 @p0 $0x1  }
0x13: {  	[smem:$0x3FB4] =	sst s0;
	s0 =	simm.s32 @!p1 $0x0  }
0x14: {  	s2 =	sld [smem:$0x3F98];
	s0 =	simm.s32 @p1 $0x1  }
0x15: {  	[smem:$0x3FB5] =	sst s0;
	s0 =	simm.s32 @!p2 $0x0  }
0x16: {  	s3 =	sld [smem:$0x3FDB];
	s0 =	simm.s32 @p2 $0x1  }
0x17: {  	s4 =	simm.s32 $0x1BF5;
	[smem:$0x3FB7] =	sst s0  }
0x18: {  	s0 =	sld [smem:$0x3F9A];
	_ =	swait.ge [sflag:s4], $0x0  }
0x19: {  	s7 =	sld [smem:$0x3F9B]  }
0x1a: {  	s8 =	sadd.s32 $0xFFFFE003, lr  }
0x1b: {  	s9 =	sadd.s32 $0xFFFFFEF7, lr;
	s5 =	simm.s32 $0xFFFFFFFF;
	p2 =	slt.u32 s8, $0xFFFFF086  }
0x1c: {  	p1 =	slt.u32 s9, $0xF7A;
	s5 =	simm.s32 @!p2 $0x0  }
0x1d: {  	s5 =	simm.s32 @p1 $0x1;
	p0 =	seq.s32 s7, s2  }
0x1e: {  	s7 =	smul.u32 @!p0 $0xF7A, s2;
	p2 =	seq.s32 @!p0 s5, $0x0  }
0x1f: {  	s9 =	smul.u32 $0xF7A, s1;
	s8 =	simm.s32 @!p0 $0x1BF5;
	p2 =	por !p2, p0  }
0x20: {  	[sflag:s8] =	ssyncset.s32 @!p0 $0xFFFFF086;
	s6 =	sadd.s32 @!p0 s3, s7;
	s7 =	simm.s32 @!p0 $0x108  }
0x21: {  	s3 =	sadd.s32 s3, s9;
	s6 =	sadd.s32 @!p0 $0x88, s6;
	s7 =	simm.s32 @p2 $0x1082  }
0x22: {  	[simem:s7], [sflag:s8] =	dma.local @!p0 [hbm:s6], $0xF7A  }
0x23: {  	s9 =	sor.u32 $0xD0000000, s2;
	s6 =	simm.s32 $0x108;
	_ =	swait.ge @!p0 [sflag:s8], $0x0  }
0x24: {  	s3 =	sadd.s32 $0x88, s3;
	s6 =	simm.s32 @!p1 $0x1082;
	[sflag:s4] =	ssyncset.s32 $0xFFFFF086  }
0x25: {  	[simem:s6], [sflag:s4] =	dma.local [hbm:s3], $0xF7A  }
0x26: {  	[smem:$0x3F9B] =	sst s1;
	(tag) =	ssettag s2;
	_ =	strace s9  }
0x27: {  	s1 =	sld [smem:$0x3FAB]  }
0x28: {  	s2 =	sld [smem:$0x3FAC]  }
0x29: {  	s4 =	sld [smem:$0x3FAE]  }
0x2a: {  	p0 =	seq.s32 s5, $0x0;
	s5 =	sld [smem:$0x3FAF]  }
0x2b: {  	s6 =	sld [smem:$0x3FB0]  }
0x2c: {  	s7 =	sld [smem:$0x3FB1]  }
0x2d: {  	s3 =	simm.s32 $0x108;
	s8 =	sld [smem:$0x3FB2]  }
0x2e: {  	s3 =	simm.s32 @!p0 $0x1082;
	s9 =	sld [smem:$0x3FB3]  }
0x2f: {  	lr =	sadd.s32 s0, s3;
	s0 =	sld [smem:$0x3FAA]  }
0x30: {  	s3 =	sld [smem:$0x3FAD]  }
0x31: {  	[smem:$0x3FB6] =	sst s10  }
0x32: {  	s10 =	sld [smem:$0x3FB4];
	_ =	sdelay $0x3  }
0x33: {  	p0 =	seq.s32 s10, $0x1;
	s10 =	sld [smem:$0x3FB6];
	_ =	sdelay $0x3  }
0x34: {  	[smem:$0x3FB6] =	sst s10  }
0x35: {  	s10 =	sld [smem:$0x3FB5];
	_ =	sdelay $0x3  }
0x36: {  	p1 =	seq.s32 s10, $0x1;
	s10 =	sld [smem:$0x3FB6];
	_ =	sdelay $0x3  }
0x37: {  	[smem:$0x3FB6] =	sst s10  }
0x38: {  	s10 =	sld [smem:$0x3FB7]  }
0x39: {  	_ = 	snop;
	(pc) =	sbr.ind lr, $3  }
0x3a: {  	_ = 	snop  }
0x3b: {  	_ = 	snop  }
0x3c: {  	p2 =	seq.s32 s10, $0x1;
	s10 =	sld [smem:$0x3FB6]  }
0x3d: {  	_ =	shalt  }
0x3e: {  	_ =	shalt  }
0x3f: {  	_ =	shalt  }
0x40: {  	_ =	shalt  }
0x41: {  	_ =	shalt  }
0x42: {  	_ =	shalt  }
0x43: {  	_ =	shalt  }
0x44: {  	_ =	shalt  }
0x45: {  	_ =	shalt  }
0x46: {  	_ =	shalt  }
0x47: {  	_ =	shalt  }
0x48: {  	_ =	shalt  }
0x49: {  	_ =	shalt  }
0x4a: {  	_ =	shalt  }
0x4b: {  	_ =	shalt  }
0x4c: {  	_ =	shalt  }
0x4d: {  	_ =	shalt  }
0x4e: {  	_ =	shalt  }
0x4f: {  	_ =	shalt  }
0x50: {  	_ =	shalt  }
0x51: {  	_ =	shalt  }
0x52: {  	_ =	shalt  }
0x53: {  	_ =	shalt  }
0x54: {  	_ =	shalt  }
0x55: {  	_ =	shalt  }
0x56: {  	_ =	shalt  }
0x57: {  	_ =	shalt  }
0x58: {  	_ =	shalt  }
0x59: {  	_ =	shalt  }
0x5a: {  	_ =	shalt  }
0x5b: {  	_ =	shalt  }
0x5c: {  	_ =	shalt  }
0x5d: {  	_ =	shalt  }
0x5e: {  	_ =	shalt  }
0x5f: {  	_ =	shalt  }
0x60: {  	_ =	shalt  }
0x61: {  	_ =	shalt  }
0x62: {  	_ =	shalt  }
0x63: {  	_ =	shalt  }
0x64: {  	_ =	shalt  }
0x65: {  	_ =	shalt  }
0x66: {  	_ =	shalt  }
0x67: {  	_ =	shalt  }
0x68: {  	_ =	shalt  }
0x69: {  	_ =	shalt  }
0x6a: {  	_ =	shalt  }
0x6b: {  	_ =	shalt  }
0x6c: {  	_ =	shalt  }
0x6d: {  	_ =	shalt  }
0x6e: {  	_ =	shalt  }
0x6f: {  	_ =	shalt  }
0x70: {  	_ =	shalt  }
0x71: {  	_ =	shalt  }
0x72: {  	_ =	shalt  }
0x73: {  	_ =	shalt  }
0x74: {  	_ =	shalt  }
0x75: {  	_ =	shalt  }
0x76: {  	_ =	shalt  }
0x77: {  	_ =	shalt  }
0x78: {  	_ =	shalt  }
0x79: {  	_ =	shalt  }
0x7a: {  	_ =	shalt  }
0x7b: {  	_ =	shalt  }
0x7c: {  	_ =	shalt  }
0x7d: {  	_ =	shalt  }
0x7e: {  	_ =	shalt  }
0x7f: {  	_ =	shalt  }
0x80: {  	_ =	shalt  }
0x81: {  	_ =	shalt  }
0x82: {  	_ =	shalt  }
0x83: {  	_ =	shalt  }
0x84: {  	_ =	shalt  }
0x85: {  	_ =	shalt  }
0x86: {  	_ =	shalt  }
0x87: {  	_ =	shalt  }
.Lfunc_end0:
.L_simem_size_0:
called_computation.1_lowered:
.L_overlay_start_0:
0x88: {  	s2 =	sld [smem:$0x3FD9]  }
0x89: {  	s3 =	sld [smem:$0x3FFE];
	_ =	sdelay $0x1  }
0x8a: {  	s1 =	srdreg.scid  }
0x8b: {  	s0 =	sand.u32 $0x1, s1  }
0x8c: {  	s16 =	sshll.u32 s0, $0xA;
	s2 =	sadd.s32 s3, s2  }
0x8d: {  	s2 =	sadd.s32 s2, s16  }
0x8e: {  	[smem:$0x3FC2] =	sst s2  }
0x8f: {  	_ = 	snop  }
0x90: {  	(tm) =	ssettm $0x1  }
0x91: {  	s17 =	sld [smem:$0x3FFB];
	_ =	sdelay $0x3  }
0x92: {  	_ =	strace s17  }
0x93: {  	s2 =	sld [smem:$0x3FFC];
	_ =	sdelay $0x3  }
0x94: {  	_ =	strace s2  }
0x95: {  	s2 =	sld [smem:$0x3FFD];
	_ =	sdelay $0x3  }
0x96: {  	_ =	strace s2  }
0x97: {  	_ =	strace $0x8FFFFFFF  }
0x98: {  	s18 =	sld [smem:$0x3FDB];
	_ =	sdelay $0x1  }
0x99: {  	s19 =	simm.s32 $_scs_section_size  }
0x9a: {  	s4 =	simm.s32 $_size__tile_overlayer_lowered;
	s5 =	simm.s32 $_tile_overlayer_lowered  }
0x9b: {  	s22 =	simm.s32 $0x1BFF;
	s21 =	sshll.u32 s5, $0x1;
	s2 =	sadd.s32 s19, s18  }
0x9c: {  	s6 =	simm.s32 $0x0;
	s20 =	sshll.u32 s4, $0x1;
	s4 =	sadd.s32 s21, s2  }
0x9d: {  	[timem:s6], [sflag:s22] =	dma.local [hbm:s4], s20  }
0x9e: {  	_ =	swait.ge [sflag:s22], s20  }
0x9f: {  	s3 =	ssub.s32 $0x0, s20;
	[sflag:s22] =	ssyncset.done $0x0  }
0xa0: {  	[sflag:s22] =	ssyncadd.s32 s3;
	_ =	sdelay $0x1  }
0xa1: {  	s23 =	simm.s32 $0x1B8B  }
0xa2: {  	_ =	swait.ge [sflag:s23], $0x1  }
0xa3: {  	[sflag:s23] =	ssyncset.done $0x0  }
0xa4: {  	s25 =	simm.s32 $0x1B8E;
	s24 =	sld [smem:$0x3FFE];
	[sflag:s23] =	ssyncadd.s32 $0xFFFFFFFF  }
0xa5: {  	s26 =	simm.s32 $execute0_lowered;
	[smem:$0x3FD2] =	sst s25  }
0xa6: {  	s4 =	sshll.u32 s26, $0x1;
	_ =	strace $0x80000049;
	[dreg:$0x1] =	wrdreg $0xFFFFFFFF  }
0xa7: {  	s28 =	simm.s32 $_size_execute0_lowered;
	s2 =	sadd.s32 s2, s4;
	[dreg:$0x0] =	wrdreg $0x0  }
0xa8: {  	s4 =	sshll.u32 s28, $0x1;
	[dreg:$0x2] =	wrdreg s2  }
0xa9: {  	[dreg:$0x3] =	wrdreg s4  }
0xaa: {  	[dreg:$0x4] =	wrdreg $0xC0  }
0xab: {  	_ =	task [dreg:s6], $0x5FFFF  }
0xac: {  	[dreg:$0x1] =	wrdreg $0xFFFFFFFF  }
0xad: {  	[dreg:$0x0] =	wrdreg $0x60  }
0xae: {  	[dreg:$0x2] =	wrdreg s24  }
0xaf: {  	[dreg:$0x3] =	wrdreg $0x0  }
0xb0: {  	[dreg:$0x4] =	wrdreg $0x9  }
0xb1: {  	_ =	task.clear_ibuf [dreg:s6], $0x5FFFF;
	_ =	strace $0x90000049  }
0xb2: {  	s29 =	simm.s32 $0x9;
	_ =	strace $0x8000004B  }
0xb3: {  	_ =	swait.ge [sflag:s29], $0x1  }
0xb4: {  	[sflag:s29] =	ssyncadd.s32 $0xFFFFFFFF  }
0xb5: {  	_ =	strace $0x9000004B  }
0xb6: {  	_ =	sfence  }
0xb7: {  	s30 =	sld [smem:$0x0];
	_ =	sdelay $0x2  }
0xb8: {  	s31 =	sshll.u32 s1, $0xD;
	s1 =	sshrl.u32 s1, $0x2  }
0xb9: {  	s3 =	sand.u32 $0x4000, s31;
	s1 =	sadd.s32 s1, s30  }
0xba: {  	s0 =	sor.u32 s3, s0;
	s1 =	sshll.u32 s1, $0x11  }
0xbb: {  	s0 =	sor.u32 s1, s0  }
0xbc: {  	s0 =	sadd.s32 $0x8F2B, s0  }
0xbd: {  	[sflag:s0] =	ssyncadd.remote.s32 $0x1  }
0xbe: {  	_ =	sfence.sel $0xFFFF  }
0xbf: {  	[dreg:$0x0] =	wrdreg $0xFFFFFFFF;
	(pc) =	sbr.abs _section_cstart, $3  }
0xc0: {  	[dreg:$0x1] =	wrdreg $0xFFFFFFFF  }
0xc1: {  	_ =	task.clear_ibuf [dreg:s6], $0x2FFFF;
	_ =	strace $0x9FFFFFFF  }
0xc2: {  	(tm) =	ssettm $0x7FFFFFFF  }
0xc3: {  	_ =	shalt  }
tec
execute0_lowered:
.L_overlay_start_1:
0x0: {  	(tag) =	ssettag $0x1  }
0x1: {  	s1 =	srdreg.scid;
	s6 =	rddreg [dreg:$0x0]  }
0x2: {  	s0 =	stileid.u32;
	s2 =	rddreg [dreg:$0x1]  }
0x3: {  	s3 =	simm.s32 $0x0;
	s14 =	simm.s32 $0x400;
	s15 =	simm.s32 $0x14000  }
0x4: {  	s16 =	simm.s32 $0x16780;
	s17 =	simm.s32 $0x50;
	s18 =	simm.s32 $0x1A780  }
0x5: {  	s19 =	simm.s32 $0x1CF80;
	s20 =	simm.s32 $0x1;
	s21 =	simm.s32 $0x2  }
0x6: {  	s22 =	simm.s32 $0x1A580;
	s5 =	sand.u32 $0x1, s1;
	s25 =	smul.u32 $0x14000, s0  }
0x7: {  	s23 =	sshrl.u32 s0, $0x3;
	s1 =	rddreg [dreg:$0x2];
	s12 =	smul.u32 $0x50000, s0  }
0x8: {  	s8 =	sshll.u32 s0, $0x7;
	[smem:$0x7FF] =	sst s3;
	s4 =	smul.u32 $0x27800, s5  }
0x9: {  	s10 =	sshll.u32 s0, $0xB;
	s31 =	sshll.u32 s0, $0x6;
	s7 =	smul.u32 $0x13C00, s23  }
0xa: {  	s24 =	sand.u32 $0x380, s8;
	_ =	strace $0x8000004A;
	s9 =	smul.u32 $0x140000, s5  }
0xb: {  	s11 =	ssub.s32 $0x2, s5;
	s10 =	sadd.s32 s10, s6;
	s30 =	sshll.u32 s5, $0xF  }
0xc: {  	s23 =	simm.s32 $0x0;
	s13 =	sshrl.u32 s11, $0x1;
	s28 =	sshrl.u32 s12, $0x2  }
0xd: {  	s29 =	sshrl.u32 s25, $0x3;
	s10 =	sadd.s32 s30, s10;
	s4 =	sadd.s32 s4, s7  }
0xe: {  	s9 =	sadd.s32 s25, s9;
	s11 =	ssub.s32 s11, s13;
	s12 =	sadd.s32 s28, s2  }
0xf: {  	s13 =	simm.s32 $0x80;
	s4 =	sor.u32 s24, s4;
	s9 =	sshrl.u32 s9, $0x3  }
0x10: {  	s26 =	sshrl.u32 s4, $0x3;
	s4 =	sadd.s32 $0x25C00, s6;
	s9 =	sadd.s32 s9, s6  }
0x11: {  	s8 =	sadd.s32 s26, s6;
	s5 =	sadd.s32 s4, s29;
	s6 =	sor.u32 $0x1C03, s31  }
0x12: {  	s9 =	sadd.s32 $0x4DC00, s9;
	s7 =	sadd.s32 $0x1BE00, s8;
	s8 =	sadd.s32 $0xBE00, s10  }
0x13: {  	s10 =	smax.u32 s11, $0x1;
	s11 =	sshrl.u32 s12, $0x3;
	s12 =	simm.s32 $0x3  }
.LBB2_1:
0x14: {  	[spmem:s11], [sflag:s6] =	dma.local [hbm:s5], $0x2800  }
0x15: {  	_ =	swait.ge [sflag:s12], $0x2800  }
0x16: {  	[sflag:s12] =	ssyncset.done $0x0  }
0x17: {  	[sflag:s12] =	ssyncadd.s32 $0xFFFFD800  }
0x18: {  	[bflag:$0x0] =	sbarrier.arrive $0xFFFF  }
0x19: {  	[tilespmem:s15], [sflag:$0x3] =	stream.strided.gather [hbm4b:s7+s13], $0x2780, s14, s13, $0x38;
	[tilespmem:$0x1F780] =	vst v63  }
0x1a: {  	_ =	swait.ge [sflag:s12], $0x2780  }
0x1b: {  	[sflag:s12] =	ssyncset.done $0x0  }
0x1c: {  	[sflag:s12] =	ssyncadd.s32 $0xFFFFD880  }
0x1d: {  	[tilespmem:s16], [sflag:$0x3] =	stream.linear.gather [hbm4b:s8+s3], $0x3E80, $0x38;
	[tilespmem:$0x1F780] =	vst v63  }
0x1e: {  	_ =	swait.ge [sflag:s12], $0x3E80  }
0x1f: {  	[sflag:s12] =	ssyncset.done $0x0  }
0x20: {  	[sflag:s12] =	ssyncadd.s32 $0xFFFFC180  }
0x21: {  	[tilespmem:s18], [sflag:$0x1] =	stream.indirect.gather [hbm4b:s4+s17], $0x80, s15, s17, $0xb8;
	[tilespmem:$0x1F780] =	vst v63  }
0x22: {  	s24 =	simm.s32 $0x14050  }
0x23: {  	[tilespmem:s19], [sflag:$0x2] =	stream.indirect.gather [hbm4b:s4+s17], $0x80, s24, s17, $0xb8;
	[tilespmem:$0x1F780] =	vst v63  }
0x24: {  	_ =	swait.ge [sflag:s20], $0x2800  }
0x25: {  	[sflag:s20] =	ssyncset.done $0x0  }
0x26: {  	s29 =	simm.s32 $0x16780;
	[sflag:s20] =	ssyncadd.s32 $0xFFFFD800  }
0x27: {  	[spmem:s2] =	stream.indirect.scatter.add.f32 [tilespmem:s18], [sflag:$0x3], $0x80, s29, s17, $0xb8;
	[tilespmem:$0x1F780] =	vst v63  }
0x28: {  	_ =	swait.ge [sflag:s12], $0x2800  }
0x29: {  	[sflag:s12] =	ssyncset.done $0x0  }
0x2a: {  	s30 =	simm.s32 $0x140A0;
	[sflag:s12] =	ssyncadd.s32 $0xFFFFD800  }
0x2b: {  	[tilespmem:s18], [sflag:$0x1] =	stream.indirect.gather [hbm4b:s4+s17], $0x80, s30, s17, $0xb8;
	[tilespmem:$0x1F780] =	vst v63  }
0x2c: {  	_ =	swait.ge [sflag:s21], $0x2800  }
0x2d: {  	[sflag:s21] =	ssyncset.done $0x0  }
0x2e: {  	s31 =	simm.s32 $0x16800;
	[sflag:s21] =	ssyncadd.s32 $0xFFFFD800  }
0x2f: {  	[spmem:s2] =	stream.indirect.scatter.add.f32 [tilespmem:s19], [sflag:$0x3], $0x80, s31, s17, $0xb8;
	[tilespmem:$0x1F780] =	vst v63  }
0x30: {  	s25 =	simm.s32 $0x400;
	_ =	swait.ge [sflag:s12], $0x2800  }
0x31: {  	s26 =	simm.s32 $0x800;
	s24 =	simm.s32 $0x14140;
	[sflag:s12] =	ssyncset.done $0x0  }
.LBB2_2:
0x32: {  	p0 =	sne.s32 s26, $0xF400;
	s28 =	sadd.s32 $0xFFFFFFB0, s24;
	[sflag:s12] =	ssyncadd.s32 $0xFFFFD800  }
0x33: {  	[tilespmem:s19], [sflag:$0x2] =	stream.indirect.gather [hbm4b:s4+s17], $0x80, s28, s17, $0xb8;
	[tilespmem:$0x1F780] =	vst v63  }
0x34: {  	s28 =	smov.u32 s26;
	s26 =	sadd.s32 $0x400, s26;
	_ =	swait.ge [sflag:s20], $0x2800  }
0x35: {  	s29 =	sshra.s32 s25, $0x2;
	s25 =	smov.u32 s28;
	[sflag:s20] =	ssyncset.done $0x0  }
0x36: {  	s28 =	sadd.s32 $0x16780, s29;
	[sflag:s20] =	ssyncadd.s32 $0xFFFFD800  }
0x37: {  	[spmem:s2] =	stream.indirect.scatter.add.f32 [tilespmem:s18], [sflag:$0x3], $0x80, s28, s17, $0xb8;
	[tilespmem:$0x1F780] =	vst v63  }
0x38: {  	_ =	swait.ge [sflag:s12], $0x2800  }
0x39: {  	[sflag:s12] =	ssyncset.done $0x0  }
0x3a: {  	[sflag:s12] =	ssyncadd.s32 $0xFFFFD800  }
0x3b: {  	[tilespmem:s18], [sflag:$0x1] =	stream.indirect.gather [hbm4b:s4+s17], $0x80, s24, s17, $0xb8;
	[tilespmem:$0x1F780] =	vst v63  }
0x3c: {  	_ =	swait.ge [sflag:s21], $0x2800  }
.Ltmp0:
0x3d: {  	[sflag:s21] =	ssyncset.done $0x0;
	(pc) =	sbr.rel @p0 .LBB2_2-.Ltmp0, $4  }
0x3e: {  	s28 =	sadd.s32 $0x16800, s29;
	[sflag:s21] =	ssyncadd.s32 $0xFFFFD800  }
0x3f: {  	[spmem:s2] =	stream.indirect.scatter.add.f32 [tilespmem:s19], [sflag:$0x3], $0x80, s28, s17, $0xb8;
	[tilespmem:$0x1F780] =	vst v63  }
0x40: {  	_ =	swait.ge [sflag:s12], $0x2800  }
0x41: {  	s24 =	sadd.s32 $0xA0, s24;
	[sflag:s12] =	ssyncset.done $0x0  }
0x42: {  	s26 =	sadd.s32 $0xFFFFFFB0, s24;
	[sflag:s12] =	ssyncadd.s32 $0xFFFFD800  }
0x43: {  	[tilespmem:s19], [sflag:$0x2] =	stream.indirect.gather [hbm4b:s4+s17], $0x80, s26, s17, $0xb8;
	[tilespmem:$0x1F780] =	vst v63  }
0x44: {  	_ =	swait.ge [sflag:s20], $0x2800  }
0x45: {  	s25 =	sshra.s32 s25, $0x2;
	[sflag:s20] =	ssyncset.done $0x0  }
0x46: {  	s30 =	sadd.s32 $0x16780, s25;
	[sflag:s20] =	ssyncadd.s32 $0xFFFFD800  }
0x47: {  	[spmem:s2] =	stream.indirect.scatter.add.f32 [tilespmem:s18], [sflag:$0x3], $0x80, s30, s17, $0xb8;
	[tilespmem:$0x1F780] =	vst v63  }
0x48: {  	_ =	swait.ge [sflag:s12], $0x2800  }
0x49: {  	[sflag:s12] =	ssyncset.done $0x0  }
0x4a: {  	[sflag:s12] =	ssyncadd.s32 $0xFFFFD800  }
0x4b: {  	[tilespmem:s18], [sflag:$0x1] =	stream.indirect.gather [hbm4b:s4+s17], $0x80, s24, s17, $0xb8;
	[tilespmem:$0x1F780] =	vst v63  }
0x4c: {  	_ =	swait.ge [sflag:s21], $0x2800  }
0x4d: {  	[sflag:s21] =	ssyncset.done $0x0  }
0x4e: {  	s31 =	sadd.s32 $0x16800, s25;
	[sflag:s21] =	ssyncadd.s32 $0xFFFFD800  }
0x4f: {  	[spmem:s2] =	stream.indirect.scatter.add.f32 [tilespmem:s19], [sflag:$0x3], $0x80, s31, s17, $0xb8;
	[tilespmem:$0x1F780] =	vst v63  }
0x50: {  	_ =	swait.ge [sflag:s12], $0x2800  }
0x51: {  	[sflag:s12] =	ssyncset.done $0x0  }
0x52: {  	[sflag:s12] =	ssyncadd.s32 $0xFFFFD800  }
0x53: {  	_ =	swait.ge [sflag:s20], $0x2800  }
0x54: {  	[sflag:s20] =	ssyncset.done $0x0  }
0x55: {  	[sflag:s20] =	ssyncadd.s32 $0xFFFFD800  }
0x56: {  	[spmem:s2] =	stream.indirect.scatter.add.f32 [tilespmem:s18], [sflag:$0x3], $0x80, s22, s17, $0xb8;
	[tilespmem:$0x1F780] =	vst v63  }
0x57: {  	_ =	swait.ge [sflag:s12], $0x2800  }
0x58: {  	s23 =	sadd.s32 $0x1, s23;
	[sflag:s12] =	ssyncset.done $0x0  }
0x59: {  	p0 =	sne.s32 s23, s10;
	[sflag:s12] =	ssyncadd.s32 $0xFFFFD800  }
.Ltmp1:
0x5a: {  	[bflag:$0x0] =	sbarrier.arrive $0xFFFF;
	(pc) =	sbr.rel @p0 .LBB2_1-.Ltmp1, $4  }
0x5b: {  	[hbm:s9], [sflag:s6] =	dma.local [spmem:s11], $0x2800  }
0x5c: {  	_ =	swait.ge [sflag:s12], $0x2800  }
0x5d: {  	[sflag:s12] =	ssyncset.done $0x0  }
0x5e: {  	[sflag:s12] =	ssyncadd.s32 $0xFFFFD800  }
0x5f: {  	_ =	sfence.sel $0x180000  }
0x60: {  	[bflag:$0x0] =	sbarrier.arrive $0xFFFF  }
0x61: {  	p0 =	sne.s32 s0, $0x0;
	_ =	strace $0x9000004A  }
0x62: {  	s0 =	sadd.s32 @!p0 $0x100000, s1;
	[bflag:$0x2] =	sbarrier.arrive $0xFFFF  }
0x63: {  	[sflag:s0] =	ssyncadd.tile.s32 @!p0 $0x1;
	_ =	shalt  }
.Lfunc_end2:
_tile_overlayer_lowered:
.L_overlay_start_2:
0x64: {  	(tag) =	ssettag $0x2  }
0x65: {  	s0 =	rddreg [dreg:$0x0];
	s2 =	stileid.u32  }
0x66: {  	s1 =	rddreg [dreg:$0x1];
	p0 =	sne.s32 s2, $0x0  }
0x67: {  	s3 =	rddreg [dreg:$0x2];
	[bflag:$0x3] =	sbarrier.arrive $0xFFFF;
	s2 =	simm.s32 @!p0 $0x1C03  }
0x68: {  	[timem:s3], [sflag:s2] =	dma.local @!p0 [hbm:s0], s1  }
0x69: {  	s0 =	simm.s32 @!p0 $0x3  }
0x6a: {  	_ =	swait.ge @!p0 [sflag:s0], s1  }
0x6b: {  	s1 =	ssub.s32 @!p0 $0x0, s1;
	[sflag:s0] =	ssyncset.done @!p0 $0x0  }
0x6c: {  	[sflag:s0] =	ssyncadd.s32 @!p0 s1  }
0x6d: {  	[bflag:$0x3] =	sbarrier.arrive $0xFFFF  }
0x6e: {  	_ =	shalt  }

// kernel: kernel.14.cloned.1.call-start
scs
__scs_entry_jumppad:
0x0: {  	(pc) =	sbr.rel $0x88, $3  }
0x1: {  	(tag) =	ssettag $0x0;
	lr =	simm.s32 $0x1  }
0x2: {  	[smem:$0x3F9B] =	sst lr;
	_ =	strace $0xD0000000  }
0x3: {  	_ = 	snop  }
0x4: {  	_ = 	snop  }
0x5: {  	_ = 	snop  }
0x6: {  	_ = 	snop  }
0x7: {  	_ = 	snop  }
__scs_overlays_trampoline_lowered:
0x8: {  	[smem:$0x3FAA] =	sst s0  }
0x9: {  	[smem:$0x3FAB] =	sst s1  }
0xa: {  	[smem:$0x3FAC] =	sst s2  }
0xb: {  	[smem:$0x3FAD] =	sst s3  }
0xc: {  	[smem:$0x3FAE] =	sst s4  }
0xd: {  	[smem:$0x3FAF] =	sst s5  }
0xe: {  	[smem:$0x3FB0] =	sst s6  }
0xf: {  	[smem:$0x3FB1] =	sst s7  }
0x10: {  	[smem:$0x3FB2] =	sst s8  }
0x11: {  	[smem:$0x3FB3] =	sst s9;
	s0 =	simm.s32 @!p0 $0x0  }
0x12: {  	s1 =	sld [smem:$0x3F99];
	s0 =	simm.s32 @p0 $0x1  }
0x13: {  	[smem:$0x3FB4] =	sst s0;
	s0 =	simm.s32 @!p1 $0x0  }
0x14: {  	s2 =	sld [smem:$0x3F98];
	s0 =	simm.s32 @p1 $0x1  }
0x15: {  	[smem:$0x3FB5] =	sst s0;
	s0 =	simm.s32 @!p2 $0x0  }
0x16: {  	s3 =	sld [smem:$0x3FDB];
	s0 =	simm.s32 @p2 $0x1  }
0x17: {  	s4 =	simm.s32 $0x1BF5;
	[smem:$0x3FB7] =	sst s0  }
0x18: {  	s0 =	sld [smem:$0x3F9A];
	_ =	swait.ge [sflag:s4], $0x0  }
0x19: {  	s7 =	sld [smem:$0x3F9B]  }
0x1a: {  	s8 =	sadd.s32 $0xFFFFE003, lr  }
0x1b: {  	s9 =	sadd.s32 $0xFFFFFEF7, lr;
	s5 =	simm.s32 $0xFFFFFFFF;
	p2 =	slt.u32 s8, $0xFFFFF086  }
0x1c: {  	p1 =	slt.u32 s9, $0xF7A;
	s5 =	simm.s32 @!p2 $0x0  }
0x1d: {  	s5 =	simm.s32 @p1 $0x1;
	p0 =	seq.s32 s7, s2  }
0x1e: {  	s7 =	smul.u32 @!p0 $0xF7A, s2;
	p2 =	seq.s32 @!p0 s5, $0x0  }
0x1f: {  	s9 =	smul.u32 $0xF7A, s1;
	s8 =	simm.s32 @!p0 $0x1BF5;
	p2 =	por !p2, p0  }
0x20: {  	[sflag:s8] =	ssyncset.s32 @!p0 $0xFFFFF086;
	s6 =	sadd.s32 @!p0 s3, s7;
	s7 =	simm.s32 @!p0 $0x108  }
0x21: {  	s3 =	sadd.s32 s3, s9;
	s6 =	sadd.s32 @!p0 $0x88, s6;
	s7 =	simm.s32 @p2 $0x1082  }
0x22: {  	[simem:s7], [sflag:s8] =	dma.local @!p0 [hbm:s6], $0xF7A  }
0x23: {  	s9 =	sor.u32 $0xD0000000, s2;
	s6 =	simm.s32 $0x108;
	_ =	swait.ge @!p0 [sflag:s8], $0x0  }
0x24: {  	s3 =	sadd.s32 $0x88, s3;
	s6 =	simm.s32 @!p1 $0x1082;
	[sflag:s4] =	ssyncset.s32 $0xFFFFF086  }
0x25: {  	[simem:s6], [sflag:s4] =	dma.local [hbm:s3], $0xF7A  }
0x26: {  	[smem:$0x3F9B] =	sst s1;
	(tag) =	ssettag s2;
	_ =	strace s9  }
0x27: {  	s1 =	sld [smem:$0x3FAB]  }
0x28: {  	s2 =	sld [smem:$0x3FAC]  }
0x29: {  	s4 =	sld [smem:$0x3FAE]  }
0x2a: {  	p0 =	seq.s32 s5, $0x0;
	s5 =	sld [smem:$0x3FAF]  }
0x2b: {  	s6 =	sld [smem:$0x3FB0]  }
0x2c: {  	s7 =	sld [smem:$0x3FB1]  }
0x2d: {  	s3 =	simm.s32 $0x108;
	s8 =	sld [smem:$0x3FB2]  }
0x2e: {  	s3 =	simm.s32 @!p0 $0x1082;
	s9 =	sld [smem:$0x3FB3]  }
0x2f: {  	lr =	sadd.s32 s0, s3;
	s0 =	sld [smem:$0x3FAA]  }
0x30: {  	s3 =	sld [smem:$0x3FAD]  }
0x31: {  	[smem:$0x3FB6] =	sst s10  }
0x32: {  	s10 =	sld [smem:$0x3FB4];
	_ =	sdelay $0x3  }
0x33: {  	p0 =	seq.s32 s10, $0x1;
	s10 =	sld [smem:$0x3FB6];
	_ =	sdelay $0x3  }
0x34: {  	[smem:$0x3FB6] =	sst s10  }
0x35: {  	s10 =	sld [smem:$0x3FB5];
	_ =	sdelay $0x3  }
0x36: {  	p1 =	seq.s32 s10, $0x1;
	s10 =	sld [smem:$0x3FB6];
	_ =	sdelay $0x3  }
0x37: {  	[smem:$0x3FB6] =	sst s10  }
0x38: {  	s10 =	sld [smem:$0x3FB7]  }
0x39: {  	_ = 	snop;
	(pc) =	sbr.ind lr, $3  }
0x3a: {  	_ = 	snop  }
0x3b: {  	_ = 	snop  }
0x3c: {  	p2 =	seq.s32 s10, $0x1;
	s10 =	sld [smem:$0x3FB6]  }
0x3d: {  	_ =	shalt  }
0x3e: {  	_ =	shalt  }
0x3f: {  	_ =	shalt  }
0x40: {  	_ =	shalt  }
0x41: {  	_ =	shalt  }
0x42: {  	_ =	shalt  }
0x43: {  	_ =	shalt  }
0x44: {  	_ =	shalt  }
0x45: {  	_ =	shalt  }
0x46: {  	_ =	shalt  }
0x47: {  	_ =	shalt  }
0x48: {  	_ =	shalt  }
0x49: {  	_ =	shalt  }
0x4a: {  	_ =	shalt  }
0x4b: {  	_ =	shalt  }
0x4c: {  	_ =	shalt  }
0x4d: {  	_ =	shalt  }
0x4e: {  	_ =	shalt  }
0x4f: {  	_ =	shalt  }
0x50: {  	_ =	shalt  }
0x51: {  	_ =	shalt  }
0x52: {  	_ =	shalt  }
0x53: {  	_ =	shalt  }
0x54: {  	_ =	shalt  }
0x55: {  	_ =	shalt  }
0x56: {  	_ =	shalt  }
0x57: {  	_ =	shalt  }
0x58: {  	_ =	shalt  }
0x59: {  	_ =	shalt  }
0x5a: {  	_ =	shalt  }
0x5b: {  	_ =	shalt  }
0x5c: {  	_ =	shalt  }
0x5d: {  	_ =	shalt  }
0x5e: {  	_ =	shalt  }
0x5f: {  	_ =	shalt  }
0x60: {  	_ =	shalt  }
0x61: {  	_ =	shalt  }
0x62: {  	_ =	shalt  }
0x63: {  	_ =	shalt  }
0x64: {  	_ =	shalt  }
0x65: {  	_ =	shalt  }
0x66: {  	_ =	shalt  }
0x67: {  	_ =	shalt  }
0x68: {  	_ =	shalt  }
0x69: {  	_ =	shalt  }
0x6a: {  	_ =	shalt  }
0x6b: {  	_ =	shalt  }
0x6c: {  	_ =	shalt  }
0x6d: {  	_ =	shalt  }
0x6e: {  	_ =	shalt  }
0x6f: {  	_ =	shalt  }
0x70: {  	_ =	shalt  }
0x71: {  	_ =	shalt  }
0x72: {  	_ =	shalt  }
0x73: {  	_ =	shalt  }
0x74: {  	_ =	shalt  }
0x75: {  	_ =	shalt  }
0x76: {  	_ =	shalt  }
0x77: {  	_ =	shalt  }
0x78: {  	_ =	shalt  }
0x79: {  	_ =	shalt  }
0x7a: {  	_ =	shalt  }
0x7b: {  	_ =	shalt  }
0x7c: {  	_ =	shalt  }
0x7d: {  	_ =	shalt  }
0x7e: {  	_ =	shalt  }
0x7f: {  	_ =	shalt  }
0x80: {  	_ =	shalt  }
0x81: {  	_ =	shalt  }
0x82: {  	_ =	shalt  }
0x83: {  	_ =	shalt  }
0x84: {  	_ =	shalt  }
0x85: {  	_ =	shalt  }
0x86: {  	_ =	shalt  }
0x87: {  	_ =	shalt  }
.Lfunc_end0:
.L_simem_size_0:
called_computation.2_lowered:
.L_overlay_start_0:
0x88: {  	s2 =	sld [smem:$0x3FD9]  }
0x89: {  	s3 =	sld [smem:$0x3FFE];
	_ =	sdelay $0x1  }
0x8a: {  	s1 =	srdreg.scid  }
0x8b: {  	s0 =	sand.u32 $0x1, s1  }
0x8c: {  	s17 =	sshll.u32 s0, $0xA;
	s2 =	sadd.s32 s3, s2  }
0x8d: {  	s2 =	sadd.s32 s2, s17  }
0x8e: {  	[smem:$0x3FC2] =	sst s2  }
0x8f: {  	_ = 	snop  }
0x90: {  	s2 =	sld [smem:$0x3FD0];
	(tm) =	ssettm $0x1  }
0x91: {  	s18 =	sld [smem:$0x3FFB];
	_ =	sdelay $0x3  }
0x92: {  	_ =	strace s18  }
0x93: {  	s3 =	sld [smem:$0x3FFC];
	_ =	sdelay $0x3  }
0x94: {  	_ =	strace s3  }
0x95: {  	s3 =	sld [smem:$0x3FFD];
	_ =	sdelay $0x3  }
0x96: {  	_ =	strace s3  }
0x97: {  	_ =	strace $0x8FFFFFFF  }
0x98: {  	s19 =	sld [smem:$0x3FDB];
	_ =	sdelay $0x1  }
0x99: {  	s4 =	simm.s32 $_scs_section_size  }
0x9a: {  	s5 =	simm.s32 $_size__tile_overlayer_lowered;
	s6 =	simm.s32 $_tile_overlayer_lowered  }
0x9b: {  	s22 =	simm.s32 $0x1BFF;
	s21 =	sshll.u32 s6, $0x1;
	s3 =	sadd.s32 s4, s19  }
0x9c: {  	s7 =	simm.s32 $0x0;
	s20 =	sshll.u32 s5, $0x1;
	s5 =	sadd.s32 s21, s3  }
0x9d: {  	[timem:s7], [sflag:s22] =	dma.local [hbm:s5], s20  }
0x9e: {  	_ =	swait.ge [sflag:s22], s20  }
0x9f: {  	s4 =	ssub.s32 $0x0, s20;
	[sflag:s22] =	ssyncset.done $0x0  }
0xa0: {  	[sflag:s22] =	ssyncadd.s32 s4;
	_ =	sdelay $0x1  }
0xa1: {  	s23 =	simm.s32 $0x1B8B  }
0xa2: {  	_ =	swait.ge [sflag:s23], $0x1  }
0xa3: {  	[sflag:s23] =	ssyncset.done $0x0  }
0xa4: {  	s25 =	simm.s32 $0x1B8E;
	s24 =	sld [smem:$0x3FFE];
	[sflag:s23] =	ssyncadd.s32 $0xFFFFFFFF  }
0xa5: {  	s26 =	simm.s32 $execute0_lowered;
	[smem:$0x3FD2] =	sst s25  }
0xa6: {  	s5 =	sshll.u32 s26, $0x1;
	_ =	strace $0x8000004C;
	[dreg:$0x1] =	wrdreg $0xFFFFFFFF  }
0xa7: {  	s28 =	simm.s32 $_size_execute0_lowered;
	s3 =	sadd.s32 s3, s5;
	[dreg:$0x0] =	wrdreg $0x0  }
0xa8: {  	s5 =	sshll.u32 s28, $0x1;
	[dreg:$0x2] =	wrdreg s3  }
0xa9: {  	[dreg:$0x3] =	wrdreg s5  }
0xaa: {  	[dreg:$0x4] =	wrdreg $0xC0  }
0xab: {  	_ =	task [dreg:s7], $0x5FFFF  }
0xac: {  	[dreg:$0x1] =	wrdreg $0xFFFFFFFF  }
0xad: {  	[dreg:$0x0] =	wrdreg $0x60  }
0xae: {  	[dreg:$0x2] =	wrdreg s2  }
0xaf: {  	[dreg:$0x3] =	wrdreg s24  }
0xb0: {  	[dreg:$0x4] =	wrdreg $0x0  }
0xb1: {  	[dreg:$0x5] =	wrdreg $0x9  }
0xb2: {  	_ =	task.clear_ibuf [dreg:s7], $0x6FFFF;
	_ =	strace $0x9000004C  }
0xb3: {  	s29 =	simm.s32 $0x9;
	_ =	strace $0x8000004E  }
0xb4: {  	_ =	swait.ge [sflag:s29], $0x1  }
0xb5: {  	[sflag:s29] =	ssyncadd.s32 $0xFFFFFFFF  }
0xb6: {  	_ =	strace $0x9000004E  }
0xb7: {  	_ =	sfence  }
0xb8: {  	s30 =	sld [smem:$0x0];
	_ =	sdelay $0x2  }
0xb9: {  	s31 =	sshll.u32 s1, $0xD;
	s1 =	sshrl.u32 s1, $0x2  }
0xba: {  	s3 =	sand.u32 $0x4000, s31;
	s1 =	sadd.s32 s1, s30  }
0xbb: {  	s0 =	sor.u32 s3, s0;
	s1 =	sshll.u32 s1, $0x11  }
0xbc: {  	s0 =	sor.u32 s1, s0  }
0xbd: {  	s0 =	sadd.s32 $0x8F2B, s0  }
0xbe: {  	[sflag:s0] =	ssyncadd.remote.s32 $0x1  }
0xbf: {  	_ =	sfence.sel $0xFFFF  }
0xc0: {  	[dreg:$0x0] =	wrdreg $0xFFFFFFFF;
	(pc) =	sbr.abs _section_cstart, $3  }
0xc1: {  	[dreg:$0x1] =	wrdreg $0xFFFFFFFF  }
0xc2: {  	_ =	task.clear_ibuf [dreg:s7], $0x2FFFF;
	_ =	strace $0x9FFFFFFF  }
0xc3: {  	(tm) =	ssettm $0x7FFFFFFF  }
tec
execute0_lowered:
.L_overlay_start_1:
0x0: {  	(tag) =	ssettag $0x1  }
0x1: {  	s1 =	rddreg [dreg:$0x0]  }
0x2: {  	s2 =	srdreg.scid;
	s6 =	rddreg [dreg:$0x1]  }
0x3: {  	s0 =	stileid.u32;
	s3 =	rddreg [dreg:$0x2];
	s4 =	simm.s32 $0x0  }
0x4: {  	s14 =	simm.s32 $0x800;
	s15 =	simm.s32 $0x1;
	s16 =	simm.s32 $0x3000  }
0x5: {  	s17 =	simm.s32 $0x80;
	s18 =	simm.s32 $0x400;
	s19 =	simm.s32 $0xD800  }
0x6: {  	s20 =	simm.s32 $0xFF80;
	s21 =	simm.s32 $0x12700;
	s22 =	simm.s32 $0x5800  }
0x7: {  	s23 =	simm.s32 $0x9800;
	s24 =	simm.s32 $0x12B00;
	s25 =	simm.s32 $0x0  }
0x8: {  	s7 =	sand.u32 $0x1, s2;
	s8 =	sshrl.u32 s0, $0x3;
	s2 =	rddreg [dreg:$0x3]  }
0x9: {  	[smem:$0x7FF] =	sst s4;
	s29 =	sshll.u32 s0, $0x7;
	s5 =	smul.u32 $0x27800, s7  }
0xa: {  	s10 =	sshll.u32 s0, $0xA;
	s8 =	smul.u32 $0x13C00, s8;
	_ =	strace $0x8000004D  }
0xb: {  	s9 =	sand.u32 $0x380, s29;
	s11 =	sshll.u32 s7, $0xF;
	s7 =	ssub.s32 $0x2, s7  }
0xc: {  	s30 =	sor.u32 s10, s11;
	s31 =	sshrl.u32 s7, $0x1;
	s8 =	sadd.s32 s5, s8  }
0xd: {  	s5 =	sadd.s32 $0xAE00, s6;
	s13 =	ssub.s32 s7, s31;
	s7 =	sadd.s32 s10, s3  }
0xe: {  	v0 =	vlaneseq.u32;
	s10 =	sadd.s32 $0x4000, s3;
	s8 =	sor.u32 s9, s8;
	s9 =	sshrl.u32 s30, $0x3  }
0xf: {  	v1 =	vimm.f32 $0.0e+00;
	v2 =	vor.u32 $0x10, v0;
	s13 =	smax.u32 s13, $0x1;
	s8 =	sshrl.u32 s8, $0x3;
	s12 =	sadd.s32 s9, s6  }
0x10: {  	v3 =	vor.u32 $0x20, v0;
	v4 =	vor.u32 $0x30, v0;
	v5 =	vor.u32 $0x40, v0;
	s9 =	sadd.s32 $0x4000, s7;
	s8 =	sadd.s32 s8, s6;
	s11 =	sadd.s32 $0xB400, s12  }
0x11: {  	v6 =	vor.u32 $0x50, v0;
	v7 =	vor.u32 $0x60, v0;
	v8 =	vor.u32 $0x70, v0;
	s12 =	sadd.s32 $0xBC00, s12;
	s6 =	sadd.s32 $0x1BE00, s8;
	s8 =	sadd.s32 $0x1000, s8  }
.LBB2_1:
0x12: {  	[tilespmem:s14], [sflag:$0x1] =	stream.linear.gather [hbm4b:s1+s4], $0x2800, $0x38;
	[tilespmem:$0x12B80] =	vst v63  }
0x13: {  	_ =	swait.ge [sflag:s15], $0x2800  }
0x14: {  	[sflag:s15] =	ssyncset.done $0x0  }
0x15: {  	[sflag:s15] =	ssyncadd.s32 $0xFFFFD800  }
0x16: {  	[tilespmem:s16], [sflag:$0x1] =	stream.linear.gather [hbm4b:s5+s4], $0x2800, $0x38;
	[tilespmem:$0x12B80] =	vst v63  }
0x17: {  	_ =	swait.ge [sflag:s15], $0x2800  }
0x18: {  	[sflag:s15] =	ssyncset.done $0x0  }
0x19: {  	[sflag:s15] =	ssyncadd.s32 $0xFFFFD800  }
0x1a: {  	[tilespmem:s19], [sflag:$0x1] =	stream.strided.gather [hbm4b:s6+s17], $0x2780, s18, s17, $0x38;
	[tilespmem:$0x12B80] =	vst v63  }
0x1b: {  	_ =	swait.ge [sflag:s15], $0x2780  }
0x1c: {  	[sflag:s15] =	ssyncset.done $0x0  }
0x1d: {  	[sflag:s15] =	ssyncadd.s32 $0xFFFFD880  }
0x1e: {  	[tilespmem:s20], [sflag:$0x1] =	stream.strided.gather [hbm4b:s8+s17], $0x2780, s18, s17, $0x38;
	[tilespmem:$0x12B80] =	vst v63  }
0x1f: {  	_ =	swait.ge [sflag:s15], $0x2780  }
0x20: {  	[sflag:s15] =	ssyncset.done $0x0  }
0x21: {  	s26 =	simm.s32 $0x0;
	s28 =	simm.s32 $0x200;
	[sflag:s15] =	ssyncadd.s32 $0xFFFFD880  }
.LBB2_2:
0x22: {  	p0 =	sne.s32 s28, $0xFE00;
	[tilespmem:s26+$0x9870] =	vst v1  }
0x23: {  	[tilespmem:s26+$0x5800] =	vst v1  }
0x24: {  	[tilespmem:s26+$0x9800] =	vst v1  }
0x25: {  	[tilespmem:s26+$0x5810] =	vst v1  }
0x26: {  	[tilespmem:s26+$0x9810] =	vst v1  }
0x27: {  	[tilespmem:s26+$0x5820] =	vst v1  }
0x28: {  	[tilespmem:s26+$0x9820] =	vst v1  }
0x29: {  	[tilespmem:s26+$0x5830] =	vst v1  }
0x2a: {  	[tilespmem:s26+$0x9830] =	vst v1  }
0x2b: {  	[tilespmem:s26+$0x5840] =	vst v1  }
0x2c: {  	[tilespmem:s26+$0x9840] =	vst v1  }
.Ltmp0:
0x2d: {  	[tilespmem:s26+$0x5850] =	vst v1;
	(pc) =	sbr.rel @p0 .LBB2_2-.Ltmp0, $4  }
0x2e: {  	[tilespmem:s26+$0x9850] =	vst v1  }
0x2f: {  	[tilespmem:s26+$0x5860] =	vst v1  }
0x30: {  	[tilespmem:s26+$0x9860] =	vst v1  }
0x31: {  	[tilespmem:s26+$0x5870] =	vst v1;
	s26 =	sshra.s32 s28, $0x2;
	s28 =	sadd.s32 $0x200, s28  }
0x32: {  	[tilespmem:s26+$0x9870] =	vst v1  }
0x33: {  	[tilespmem:s26+$0x5800] =	vst v1  }
0x34: {  	[tilespmem:s26+$0x9800] =	vst v1  }
0x35: {  	[tilespmem:s26+$0x5810] =	vst v1  }
0x36: {  	[tilespmem:s26+$0x9810] =	vst v1  }
0x37: {  	[tilespmem:s26+$0x5820] =	vst v1  }
0x38: {  	[tilespmem:s26+$0x9820] =	vst v1  }
0x39: {  	[tilespmem:s26+$0x5830] =	vst v1  }
0x3a: {  	[tilespmem:s26+$0x9830] =	vst v1  }
0x3b: {  	[tilespmem:s26+$0x5840] =	vst v1  }
0x3c: {  	[tilespmem:s26+$0x9840] =	vst v1  }
0x3d: {  	[tilespmem:s26+$0x5850] =	vst v1  }
0x3e: {  	[tilespmem:s26+$0x9850] =	vst v1  }
0x3f: {  	[tilespmem:s26+$0x5860] =	vst v1  }
0x40: {  	[tilespmem:s26+$0x9860] =	vst v1  }
0x41: {  	[tilespmem:s26+$0x5870] =	vst v1  }
0x42: {  	[tilespmem:$0x12700] =	vst v1  }
0x43: {  	[tilespmem:$0x12710] =	vst v1  }
0x44: {  	[tilespmem:$0x12720] =	vst v1  }
0x45: {  	[tilespmem:$0x12730] =	vst v1  }
0x46: {  	[tilespmem:$0x12740] =	vst v1  }
0x47: {  	[tilespmem:$0x12750] =	vst v1  }
0x48: {  	[tilespmem:$0x12760] =	vst v1  }
0x49: {  	[tilespmem:$0x12770] =	vst v1  }
0x4a: {  	[tilespmem:$0x12780] =	vst v1  }
0x4b: {  	[tilespmem:$0x12790] =	vst v1  }
0x4c: {  	[tilespmem:$0x127A0] =	vst v1  }
0x4d: {  	[tilespmem:$0x127B0] =	vst v1  }
0x4e: {  	[tilespmem:$0x127C0] =	vst v1  }
0x4f: {  	[tilespmem:$0x127D0] =	vst v1  }
0x50: {  	[tilespmem:$0x127E0] =	vst v1  }
0x51: {  	[tilespmem:$0x127F0] =	vst v1  }
0x52: {  	[tilespmem:$0x12800] =	vst v1  }
0x53: {  	[tilespmem:$0x12810] =	vst v1  }
0x54: {  	[tilespmem:$0x12820] =	vst v1  }
0x55: {  	[tilespmem:$0x12830] =	vst v1  }
0x56: {  	[tilespmem:$0x12840] =	vst v1  }
0x57: {  	[tilespmem:$0x12850] =	vst v1  }
0x58: {  	[tilespmem:$0x12860] =	vst v1  }
0x59: {  	[tilespmem:$0x12870] =	vst v1  }
0x5a: {  	[tilespmem:$0x12880] =	vst v1  }
0x5b: {  	[tilespmem:$0x12890] =	vst v1  }
0x5c: {  	[tilespmem:$0x128A0] =	vst v1  }
0x5d: {  	[tilespmem:$0x128B0] =	vst v1  }
0x5e: {  	[tilespmem:$0x128C0] =	vst v1  }
0x5f: {  	[tilespmem:$0x128D0] =	vst v1  }
0x60: {  	[tilespmem:$0x128E0] =	vst v1  }
0x61: {  	[tilespmem:$0x128F0] =	vst v1  }
0x62: {  	[tilespmem:$0x12900] =	vst v1  }
0x63: {  	[tilespmem:$0x12910] =	vst v1  }
0x64: {  	[tilespmem:$0x12920] =	vst v1  }
0x65: {  	[tilespmem:$0x12930] =	vst v1  }
0x66: {  	[tilespmem:$0x12940] =	vst v1  }
0x67: {  	[tilespmem:$0x12950] =	vst v1  }
0x68: {  	[tilespmem:$0x12960] =	vst v1  }
0x69: {  	[tilespmem:$0x12970] =	vst v1  }
0x6a: {  	[tilespmem:$0x12980] =	vst v1  }
0x6b: {  	[tilespmem:$0x12990] =	vst v1  }
0x6c: {  	[tilespmem:$0x129A0] =	vst v1  }
0x6d: {  	[tilespmem:$0x129B0] =	vst v1  }
0x6e: {  	[tilespmem:$0x129C0] =	vst v1  }
0x6f: {  	[tilespmem:$0x129D0] =	vst v1  }
0x70: {  	[tilespmem:$0x129E0] =	vst v1  }
0x71: {  	[tilespmem:$0x129F0] =	vst v1  }
0x72: {  	[tilespmem:$0x12A00] =	vst v1  }
0x73: {  	[tilespmem:$0x12A10] =	vst v1  }
0x74: {  	[tilespmem:$0x12A20] =	vst v1  }
0x75: {  	[tilespmem:$0x12A30] =	vst v1  }
0x76: {  	[tilespmem:$0x12A40] =	vst v1  }
0x77: {  	[tilespmem:$0x12A50] =	vst v1  }
0x78: {  	[tilespmem:$0x12A60] =	vst v1  }
0x79: {  	[tilespmem:$0x12A70] =	vst v1  }
0x7a: {  	[tilespmem:$0x12A80] =	vst v1  }
0x7b: {  	[tilespmem:$0x12A90] =	vst v1  }
0x7c: {  	[tilespmem:$0x12AA0] =	vst v1  }
0x7d: {  	[tilespmem:$0x12AB0] =	vst v1  }
0x7e: {  	[tilespmem:$0x12AC0] =	vst v1  }
0x7f: {  	[tilespmem:$0x12AD0] =	vst v1  }
0x80: {  	[tilespmem:$0x12AE0] =	vst v1  }
0x81: {  	[tilespmem:$0x12AF0] =	vst v1  }
0x82: {  	[tilespmem:$0x12B00] =	vst v0  }
0x83: {  	[tilespmem:$0x12B10] =	vst v2  }
0x84: {  	[tilespmem:$0x12B20] =	vst v3  }
0x85: {  	[tilespmem:$0x12B30] =	vst v4  }
0x86: {  	[tilespmem:$0x12B40] =	vst v5  }
0x87: {  	[tilespmem:$0x12B50] =	vst v6  }
0x88: {  	[tilespmem:$0x12B60] =	vst v7  }
0x89: {  	[tilespmem:$0x12B70] =	vst v8  }
0x8a: {  	[spmem:s7] =	stream.linear.scatter [tilespmem:s21], [sflag:$0x1], $0x400, $0x38;
	[tilespmem:$0x12B80] =	vst v63  }
0x8b: {  	_ =	swait.ge [sflag:s15], $0x400  }
0x8c: {  	[sflag:s15] =	ssyncset.done $0x0  }
0x8d: {  	[sflag:s15] =	ssyncadd.s32 $0xFFFFFC00  }
0x8e: {  	[spmem:s9] =	stream.linear.scatter [tilespmem:s21], [sflag:$0x1], $0x400, $0x38;
	[tilespmem:$0x12B80] =	vst v63  }
0x8f: {  	_ =	swait.ge [sflag:s15], $0x400  }
0x90: {  	[sflag:s15] =	ssyncset.done $0x0  }
0x91: {  	s31 =	simm.s32 $0x0;
	[sflag:s15] =	ssyncadd.s32 $0xFFFFFC00  }
0x92: {  	v9 =	vld [tilespmem:s31+$0xD800];
	_ =	sdelay $0x4  }
0x93: {  	v10 =	vld [tilespmem:s31+$0xFF80];
	_ =	sdelay $0x2  }
0x94: {  	v11 =	vld.idx.msk [tilespmem:v9+s14+$0x0], $0xffff;
	_ =	sdelay $0x4  }
0x95: {  	[tilespmem:v10+s22+$0x0] =	vst.idx.add.f32.msk $0xffff, v11  }
0x96: {  	v9 =	vld.idx.msk [tilespmem:v9+s16+$0x0], $0xffff;
	_ =	sdelay $0x4  }
0x97: {  	[tilespmem:v10+s23+$0x0] =	vst.idx.add.f32.msk $0xffff, v9  }
0x98: {  	v10 =	vld [tilespmem:s31+$0xD810];
	_ =	sdelay $0x4  }
0x99: {  	v9 =	vld [tilespmem:s31+$0xFF90];
	_ =	sdelay $0x2  }
0x9a: {  	v11 =	vld.idx.msk [tilespmem:v10+s14+$0x0], $0xffff;
	_ =	sdelay $0x4  }
0x9b: {  	[tilespmem:v9+s22+$0x0] =	vst.idx.add.f32.msk $0xffff, v11  }
0x9c: {  	s26 =	simm.s32 $0x80;
	s28 =	simm.s32 $0x100;
	v10 =	vld.idx.msk [tilespmem:v10+s16+$0x0], $0xffff  }
.LBB2_4:
0x9d: {  	_ =	sdelay $0x2  }
0x9e: {  	p0 =	sne.s32 s28, $0x9B80  }
0x9f: {  	s29 =	sshra.s32 s26, $0x2;
	s26 =	smov.u32 s28;
	s28 =	sadd.s32 $0x80, s28;
	[tilespmem:v9+s23+$0x0] =	vst.idx.add.f32.msk $0xffff, v10  }
0xa0: {  	v9 =	vld [tilespmem:s29+$0xD800];
	_ =	sdelay $0x5  }
0xa1: {  	v10 =	vld [tilespmem:s29+$0xFF80];
	_ =	sdelay $0x1  }
0xa2: {  	v11 =	vld.idx.msk [tilespmem:v9+s14+$0x0], $0xffff;
	_ =	sdelay $0x5  }
0xa3: {  	[tilespmem:v10+s22+$0x0] =	vst.idx.add.f32.msk $0xffff, v11  }
0xa4: {  	v9 =	vld.idx.msk [tilespmem:v9+s16+$0x0], $0xffff;
	_ =	sdelay $0x5  }
0xa5: {  	[tilespmem:v10+s23+$0x0] =	vst.idx.add.f32.msk $0xffff, v9  }
0xa6: {  	v10 =	vld [tilespmem:s29+$0xD810];
	_ =	sdelay $0x5  }
0xa7: {  	v9 =	vld [tilespmem:s29+$0xFF90];
	_ =	sdelay $0x1  }
0xa8: {  	v11 =	vld.idx.msk [tilespmem:v10+s14+$0x0], $0xffff;
	_ =	sdelay $0x2  }
.Ltmp1:
0xa9: {  	(pc) =	sbr.rel @p0 .LBB2_4-.Ltmp1, $3  }
0xaa: {  	_ =	sdelay $0x1  }
0xab: {  	[tilespmem:v9+s22+$0x0] =	vst.idx.add.f32.msk $0xffff, v11  }
0xac: {  	v10 =	vld.idx.msk [tilespmem:v10+s16+$0x0], $0xffff  }
0xad: {  	_ =	sdelay $0x3  }
0xae: {  	s26 =	sshra.s32 s26, $0x2;
	[tilespmem:v9+s23+$0x0] =	vst.idx.add.f32.msk $0xffff, v10  }
0xaf: {  	v9 =	vld [tilespmem:s26+$0xD800];
	_ =	sdelay $0x4  }
0xb0: {  	v10 =	vld [tilespmem:s26+$0xFF80];
	_ =	sdelay $0x2  }
0xb1: {  	v11 =	vld.idx.msk [tilespmem:v9+s14+$0x0], $0xffff;
	_ =	sdelay $0x4  }
0xb2: {  	[tilespmem:v10+s22+$0x0] =	vst.idx.add.f32.msk $0xffff, v11  }
0xb3: {  	v9 =	vld.idx.msk [tilespmem:v9+s16+$0x0], $0xffff;
	_ =	sdelay $0x4  }
0xb4: {  	[tilespmem:v10+s23+$0x0] =	vst.idx.add.f32.msk $0xffff, v9  }
0xb5: {  	v9 =	vld [tilespmem:s26+$0xD810];
	_ =	sdelay $0x4  }
0xb6: {  	v10 =	vld [tilespmem:s26+$0xFF90];
	_ =	sdelay $0x2  }
0xb7: {  	v11 =	vld.idx.msk [tilespmem:v9+s14+$0x0], $0xffff;
	_ =	sdelay $0x4  }
0xb8: {  	[tilespmem:v10+s22+$0x0] =	vst.idx.add.f32.msk $0xffff, v11  }
0xb9: {  	v9 =	vld.idx.msk [tilespmem:v9+s16+$0x0], $0xffff;
	_ =	sdelay $0x4  }
0xba: {  	[tilespmem:v10+s23+$0x0] =	vst.idx.add.f32.msk $0xffff, v9  }
0xbb: {  	v9 =	vld [tilespmem:$0xFF00];
	_ =	sdelay $0x4  }
0xbc: {  	v10 =	vld [tilespmem:$0x12680];
	_ =	sdelay $0x2  }
0xbd: {  	v11 =	vld.idx.msk [tilespmem:v9+s14+$0x0], $0xffff;
	_ =	sdelay $0x4  }
0xbe: {  	[tilespmem:v10+s22+$0x0] =	vst.idx.add.f32.msk $0xffff, v11  }
0xbf: {  	v9 =	vld.idx.msk [tilespmem:v9+s16+$0x0], $0xffff;
	_ =	sdelay $0x4  }
0xc0: {  	[tilespmem:v10+s23+$0x0] =	vst.idx.add.f32.msk $0xffff, v9  }
0xc1: {  	[bflag:$0x0] =	sbarrier.arrive $0xFFFF  }
0xc2: {  	[spmem:s3] =	stream.indirect.scatter.add.f32 [tilespmem:s22], [sflag:$0x1], $0x80, s24, s17, $0xb8;
	[tilespmem:$0x12B80] =	vst v63  }
0xc3: {  	_ =	swait.ge [sflag:s15], $0x4000  }
0xc4: {  	[sflag:s15] =	ssyncset.done $0x0  }
0xc5: {  	[sflag:s15] =	ssyncadd.s32 $0xFFFFC000  }
0xc6: {  	[spmem:s10] =	stream.indirect.scatter.add.f32 [tilespmem:s23], [sflag:$0x1], $0x80, s24, s17, $0xb8;
	[tilespmem:$0x12B80] =	vst v63  }
0xc7: {  	_ =	swait.ge [sflag:s15], $0x4000  }
0xc8: {  	[sflag:s15] =	ssyncset.done $0x0  }
0xc9: {  	[sflag:s15] =	ssyncadd.s32 $0xFFFFC000  }
0xca: {  	[bflag:$0x0] =	sbarrier.arrive $0xFFFF  }
0xcb: {  	[tilespmem:s21], [sflag:$0x1] =	stream.linear.gather [spmem:s7], $0x400, $0x38;
	[tilespmem:$0x12B80] =	vst v63  }
0xcc: {  	_ =	swait.ge [sflag:s15], $0x400  }
0xcd: {  	[sflag:s15] =	ssyncset.done $0x0  }
0xce: {  	[sflag:s15] =	ssyncadd.s32 $0xFFFFFC00  }
0xcf: {  	[hbm4b:s11+s4] =	stream.linear.scatter [tilespmem:s21], [sflag:$0x1], $0x400, $0x38;
	[tilespmem:$0x12B80] =	vst v63  }
0xd0: {  	_ =	swait.ge [sflag:s15], $0x400  }
0xd1: {  	[sflag:s15] =	ssyncset.done $0x0  }
0xd2: {  	[sflag:s15] =	ssyncadd.s32 $0xFFFFFC00  }
0xd3: {  	[tilespmem:s21], [sflag:$0x1] =	stream.linear.gather [spmem:s9], $0x400, $0x38;
	[tilespmem:$0x12B80] =	vst v63  }
0xd4: {  	s25 =	sadd.s32 $0x1, s25;
	_ =	swait.ge [sflag:s15], $0x400  }
0xd5: {  	p0 =	sne.s32 s25, s13;
	[sflag:s15] =	ssyncset.done $0x0  }
.Ltmp2:
0xd6: {  	[sflag:s15] =	ssyncadd.s32 $0xFFFFFC00;
	(pc) =	sbr.rel @p0 .LBB2_1-.Ltmp2, $4  }
0xd7: {  	[hbm4b:s12+s4] =	stream.linear.scatter [tilespmem:s21], [sflag:$0x1], $0x400, $0x38;
	[tilespmem:$0x12B80] =	vst v63  }
0xd8: {  	_ =	swait.ge [sflag:s15], $0x400  }
0xd9: {  	[sflag:s15] =	ssyncset.done $0x0  }
0xda: {  	[sflag:s15] =	ssyncadd.s32 $0xFFFFFC00  }
0xdb: {  	_ =	sfence.sel $0x180000  }
0xdc: {  	[bflag:$0x0] =	sbarrier.arrive $0xFFFF  }
0xdd: {  	p0 =	sne.s32 s0, $0x0;
	_ =	strace $0x9000004D  }
0xde: {  	s0 =	sadd.s32 @!p0 $0x100000, s2;
	[bflag:$0x2] =	sbarrier.arrive $0xFFFF  }
0xdf: {  	[sflag:s0] =	ssyncadd.tile.s32 @!p0 $0x1;
	_ =	shalt  }
.Lfunc_end2:
_tile_overlayer_lowered:
.L_overlay_start_2:
0xe0: {  	(tag) =	ssettag $0x2  }
0xe1: {  	s0 =	rddreg [dreg:$0x0];
	s2 =	stileid.u32  }
0xe2: {  	s1 =	rddreg [dreg:$0x1];
	p0 =	sne.s32 s2, $0x0  }
0xe3: {  	s3 =	rddreg [dreg:$0x2];
	[bflag:$0x3] =	sbarrier.arrive $0xFFFF;
	s2 =	simm.s32 @!p0 $0x1C01  }
0xe4: {  	[timem:s3], [sflag:s2] =	dma.local @!p0 [hbm:s0], s1  }
0xe5: {  	s0 =	simm.s32 @!p0 $0x1  }
0xe6: {  	_ =	swait.ge @!p0 [sflag:s0], s1  }
0xe7: {  	s1 =	ssub.s32 @!p0 $0x0, s1;
	[sflag:s0] =	ssyncset.done @!p0 $0x0  }
0xe8: {  	[sflag:s0] =	ssyncadd.s32 @!p0 s1  }
0xe9: {  	[bflag:$0x3] =	sbarrier.arrive $0xFFFF  }
0xea: {  	_ =	shalt  }

// kernel: kernel.8.cloned.1.call-start
scs
__scs_entry_jumppad:
0x0: {  	(pc) =	sbr.rel $0x88, $3  }
0x1: {  	(tag) =	ssettag $0x0;
	lr =	simm.s32 $0x1  }
0x2: {  	[smem:$0x3F9B] =	sst lr;
	_ =	strace $0xD0000000  }
0x3: {  	_ = 	snop  }
0x4: {  	_ = 	snop  }
0x5: {  	_ = 	snop  }
0x6: {  	_ = 	snop  }
0x7: {  	_ = 	snop  }
__scs_overlays_trampoline_lowered:
0x8: {  	[smem:$0x3FAA] =	sst s0  }
0x9: {  	[smem:$0x3FAB] =	sst s1  }
0xa: {  	[smem:$0x3FAC] =	sst s2  }
0xb: {  	[smem:$0x3FAD] =	sst s3  }
0xc: {  	[smem:$0x3FAE] =	sst s4  }
0xd: {  	[smem:$0x3FAF] =	sst s5  }
0xe: {  	[smem:$0x3FB0] =	sst s6  }
0xf: {  	[smem:$0x3FB1] =	sst s7  }
0x10: {  	[smem:$0x3FB2] =	sst s8  }
0x11: {  	[smem:$0x3FB3] =	sst s9;
	s0 =	simm.s32 @!p0 $0x0  }
0x12: {  	s1 =	sld [smem:$0x3F99];
	s0 =	simm.s32 @p0 $0x1  }
0x13: {  	[smem:$0x3FB4] =	sst s0;
	s0 =	simm.s32 @!p1 $0x0  }
0x14: {  	s2 =	sld [smem:$0x3F98];
	s0 =	simm.s32 @p1 $0x1  }
0x15: {  	[smem:$0x3FB5] =	sst s0;
	s0 =	simm.s32 @!p2 $0x0  }
0x16: {  	s3 =	sld [smem:$0x3FDB];
	s0 =	simm.s32 @p2 $0x1  }
0x17: {  	s4 =	simm.s32 $0x1BF5;
	[smem:$0x3FB7] =	sst s0  }
0x18: {  	s0 =	sld [smem:$0x3F9A];
	_ =	swait.ge [sflag:s4], $0x0  }
0x19: {  	s7 =	sld [smem:$0x3F9B]  }
0x1a: {  	s8 =	sadd.s32 $0xFFFFE003, lr  }
0x1b: {  	s9 =	sadd.s32 $0xFFFFFEF7, lr;
	s5 =	simm.s32 $0xFFFFFFFF;
	p2 =	slt.u32 s8, $0xFFFFF086  }
0x1c: {  	p1 =	slt.u32 s9, $0xF7A;
	s5 =	simm.s32 @!p2 $0x0  }
0x1d: {  	s5 =	simm.s32 @p1 $0x1;
	p0 =	seq.s32 s7, s2  }
0x1e: {  	s7 =	smul.u32 @!p0 $0xF7A, s2;
	p2 =	seq.s32 @!p0 s5, $0x0  }
0x1f: {  	s9 =	smul.u32 $0xF7A, s1;
	s8 =	simm.s32 @!p0 $0x1BF5;
	p2 =	por !p2, p0  }
0x20: {  	[sflag:s8] =	ssyncset.s32 @!p0 $0xFFFFF086;
	s6 =	sadd.s32 @!p0 s3, s7;
	s7 =	simm.s32 @!p0 $0x108  }
0x21: {  	s3 =	sadd.s32 s3, s9;
	s6 =	sadd.s32 @!p0 $0x88, s6;
	s7 =	simm.s32 @p2 $0x1082  }
0x22: {  	[simem:s7], [sflag:s8] =	dma.local @!p0 [hbm:s6], $0xF7A  }
0x23: {  	s9 =	sor.u32 $0xD0000000, s2;
	s6 =	simm.s32 $0x108;
	_ =	swait.ge @!p0 [sflag:s8], $0x0  }
0x24: {  	s3 =	sadd.s32 $0x88, s3;
	s6 =	simm.s32 @!p1 $0x1082;
	[sflag:s4] =	ssyncset.s32 $0xFFFFF086  }
0x25: {  	[simem:s6], [sflag:s4] =	dma.local [hbm:s3], $0xF7A  }
0x26: {  	[smem:$0x3F9B] =	sst s1;
	(tag) =	ssettag s2;
	_ =	strace s9  }
0x27: {  	s1 =	sld [smem:$0x3FAB]  }
0x28: {  	s2 =	sld [smem:$0x3FAC]  }
0x29: {  	s4 =	sld [smem:$0x3FAE]  }
0x2a: {  	p0 =	seq.s32 s5, $0x0;
	s5 =	sld [smem:$0x3FAF]  }
0x2b: {  	s6 =	sld [smem:$0x3FB0]  }
0x2c: {  	s7 =	sld [smem:$0x3FB1]  }
0x2d: {  	s3 =	simm.s32 $0x108;
	s8 =	sld [smem:$0x3FB2]  }
0x2e: {  	s3 =	simm.s32 @!p0 $0x1082;
	s9 =	sld [smem:$0x3FB3]  }
0x2f: {  	lr =	sadd.s32 s0, s3;
	s0 =	sld [smem:$0x3FAA]  }
0x30: {  	s3 =	sld [smem:$0x3FAD]  }
0x31: {  	[smem:$0x3FB6] =	sst s10  }
0x32: {  	s10 =	sld [smem:$0x3FB4];
	_ =	sdelay $0x3  }
0x33: {  	p0 =	seq.s32 s10, $0x1;
	s10 =	sld [smem:$0x3FB6];
	_ =	sdelay $0x3  }
0x34: {  	[smem:$0x3FB6] =	sst s10  }
0x35: {  	s10 =	sld [smem:$0x3FB5];
	_ =	sdelay $0x3  }
0x36: {  	p1 =	seq.s32 s10, $0x1;
	s10 =	sld [smem:$0x3FB6];
	_ =	sdelay $0x3  }
0x37: {  	[smem:$0x3FB6] =	sst s10  }
0x38: {  	s10 =	sld [smem:$0x3FB7]  }
0x39: {  	_ = 	snop;
	(pc) =	sbr.ind lr, $3  }
0x3a: {  	_ = 	snop  }
0x3b: {  	_ = 	snop  }
0x3c: {  	p2 =	seq.s32 s10, $0x1;
	s10 =	sld [smem:$0x3FB6]  }
0x3d: {  	_ =	shalt  }
0x3e: {  	_ =	shalt  }
0x3f: {  	_ =	shalt  }
0x40: {  	_ =	shalt  }
0x41: {  	_ =	shalt  }
0x42: {  	_ =	shalt  }
0x43: {  	_ =	shalt  }
0x44: {  	_ =	shalt  }
0x45: {  	_ =	shalt  }
0x46: {  	_ =	shalt  }
0x47: {  	_ =	shalt  }
0x48: {  	_ =	shalt  }
0x49: {  	_ =	shalt  }
0x4a: {  	_ =	shalt  }
0x4b: {  	_ =	shalt  }
0x4c: {  	_ =	shalt  }
0x4d: {  	_ =	shalt  }
0x4e: {  	_ =	shalt  }
0x4f: {  	_ =	shalt  }
0x50: {  	_ =	shalt  }
0x51: {  	_ =	shalt  }
0x52: {  	_ =	shalt  }
0x53: {  	_ =	shalt  }
0x54: {  	_ =	shalt  }
0x55: {  	_ =	shalt  }
0x56: {  	_ =	shalt  }
0x57: {  	_ =	shalt  }
0x58: {  	_ =	shalt  }
0x59: {  	_ =	shalt  }
0x5a: {  	_ =	shalt  }
0x5b: {  	_ =	shalt  }
0x5c: {  	_ =	shalt  }
0x5d: {  	_ =	shalt  }
0x5e: {  	_ =	shalt  }
0x5f: {  	_ =	shalt  }
0x60: {  	_ =	shalt  }
0x61: {  	_ =	shalt  }
0x62: {  	_ =	shalt  }
0x63: {  	_ =	shalt  }
0x64: {  	_ =	shalt  }
0x65: {  	_ =	shalt  }
0x66: {  	_ =	shalt  }
0x67: {  	_ =	shalt  }
0x68: {  	_ =	shalt  }
0x69: {  	_ =	shalt  }
0x6a: {  	_ =	shalt  }
0x6b: {  	_ =	shalt  }
0x6c: {  	_ =	shalt  }
0x6d: {  	_ =	shalt  }
0x6e: {  	_ =	shalt  }
0x6f: {  	_ =	shalt  }
0x70: {  	_ =	shalt  }
0x71: {  	_ =	shalt  }
0x72: {  	_ =	shalt  }
0x73: {  	_ =	shalt  }
0x74: {  	_ =	shalt  }
0x75: {  	_ =	shalt  }
0x76: {  	_ =	shalt  }
0x77: {  	_ =	shalt  }
0x78: {  	_ =	shalt  }
0x79: {  	_ =	shalt  }
0x7a: {  	_ =	shalt  }
0x7b: {  	_ =	shalt  }
0x7c: {  	_ =	shalt  }
0x7d: {  	_ =	shalt  }
0x7e: {  	_ =	shalt  }
0x7f: {  	_ =	shalt  }
0x80: {  	_ =	shalt  }
0x81: {  	_ =	shalt  }
0x82: {  	_ =	shalt  }
0x83: {  	_ =	shalt  }
0x84: {  	_ =	shalt  }
0x85: {  	_ =	shalt  }
0x86: {  	_ =	shalt  }
0x87: {  	_ =	shalt  }
.Lfunc_end0:
.L_simem_size_0:
called_computation_lowered:
.L_overlay_start_0:
0x88: {  	s2 =	sld [smem:$0x3FD9]  }
0x89: {  	s3 =	sld [smem:$0x3FFE];
	_ =	sdelay $0x1  }
0x8a: {  	s1 =	srdreg.scid  }
0x8b: {  	s0 =	sand.u32 $0x1, s1  }
0x8c: {  	s16 =	sshll.u32 s0, $0xA;
	s2 =	sadd.s32 s3, s2  }
0x8d: {  	s2 =	sadd.s32 s2, s16  }
0x8e: {  	[smem:$0x3FC2] =	sst s2  }
0x8f: {  	_ = 	snop  }
0x90: {  	(tm) =	ssettm $0x1  }
0x91: {  	s17 =	sld [smem:$0x3FFB];
	_ =	sdelay $0x3  }
0x92: {  	_ =	strace s17  }
0x93: {  	s2 =	sld [smem:$0x3FFC];
	_ =	sdelay $0x3  }
0x94: {  	_ =	strace s2  }
0x95: {  	s2 =	sld [smem:$0x3FFD];
	_ =	sdelay $0x3  }
0x96: {  	_ =	strace s2  }
0x97: {  	_ =	strace $0x8FFFFFFF  }
0x98: {  	s18 =	sld [smem:$0x3FDB];
	_ =	sdelay $0x1  }
0x99: {  	s19 =	simm.s32 $_scs_section_size  }
0x9a: {  	s4 =	simm.s32 $_size__tile_overlayer_lowered;
	s5 =	simm.s32 $_tile_overlayer_lowered  }
0x9b: {  	s22 =	simm.s32 $0x1BFF;
	s21 =	sshll.u32 s5, $0x1;
	s2 =	sadd.s32 s19, s18  }
0x9c: {  	s6 =	simm.s32 $0x0;
	s20 =	sshll.u32 s4, $0x1;
	s4 =	sadd.s32 s21, s2  }
0x9d: {  	[timem:s6], [sflag:s22] =	dma.local [hbm:s4], s20  }
0x9e: {  	_ =	swait.ge [sflag:s22], s20  }
0x9f: {  	s3 =	ssub.s32 $0x0, s20;
	[sflag:s22] =	ssyncset.done $0x0  }
0xa0: {  	[sflag:s22] =	ssyncadd.s32 s3;
	_ =	sdelay $0x1  }
0xa1: {  	s23 =	simm.s32 $0x1B8B  }
0xa2: {  	_ =	swait.ge [sflag:s23], $0x1  }
0xa3: {  	[sflag:s23] =	ssyncset.done $0x0  }
0xa4: {  	s25 =	simm.s32 $0x1B8E;
	s24 =	sld [smem:$0x3FFE];
	[sflag:s23] =	ssyncadd.s32 $0xFFFFFFFF  }
0xa5: {  	s26 =	simm.s32 $execute0_lowered;
	[smem:$0x3FD2] =	sst s25  }
0xa6: {  	s4 =	sshll.u32 s26, $0x1;
	_ =	strace $0x80000046;
	[dreg:$0x1] =	wrdreg $0xFFFFFFFF  }
0xa7: {  	s28 =	simm.s32 $_size_execute0_lowered;
	s2 =	sadd.s32 s2, s4;
	[dreg:$0x0] =	wrdreg $0x0  }
0xa8: {  	s4 =	sshll.u32 s28, $0x1;
	[dreg:$0x2] =	wrdreg s2  }
0xa9: {  	[dreg:$0x3] =	wrdreg s4  }
0xaa: {  	[dreg:$0x4] =	wrdreg $0xC0  }
0xab: {  	_ =	task [dreg:s6], $0x5FFFF  }
0xac: {  	[dreg:$0x1] =	wrdreg $0xFFFFFFFF  }
0xad: {  	[dreg:$0x0] =	wrdreg $0x60  }
0xae: {  	[dreg:$0x2] =	wrdreg s24  }
0xaf: {  	[dreg:$0x3] =	wrdreg $0x0  }
0xb0: {  	[dreg:$0x4] =	wrdreg $0x9  }
0xb1: {  	_ =	task.clear_ibuf [dreg:s6], $0x5FFFF;
	_ =	strace $0x90000046  }
0xb2: {  	s29 =	simm.s32 $0x9;
	_ =	strace $0x80000048  }
0xb3: {  	_ =	swait.ge [sflag:s29], $0x1  }
0xb4: {  	[sflag:s29] =	ssyncadd.s32 $0xFFFFFFFF  }
0xb5: {  	_ =	strace $0x90000048  }
0xb6: {  	_ =	sfence  }
0xb7: {  	s30 =	sld [smem:$0x0];
	_ =	sdelay $0x2  }
0xb8: {  	s31 =	sshll.u32 s1, $0xD;
	s1 =	sshrl.u32 s1, $0x2  }
0xb9: {  	s3 =	sand.u32 $0x4000, s31;
	s1 =	sadd.s32 s1, s30  }
0xba: {  	s0 =	sor.u32 s3, s0;
	s1 =	sshll.u32 s1, $0x11  }
0xbb: {  	s0 =	sor.u32 s1, s0  }
0xbc: {  	s0 =	sadd.s32 $0x8F2B, s0  }
0xbd: {  	[sflag:s0] =	ssyncadd.remote.s32 $0x1  }
0xbe: {  	_ =	sfence.sel $0xFFFF  }
0xbf: {  	[dreg:$0x0] =	wrdreg $0xFFFFFFFF;
	(pc) =	sbr.abs _section_cstart, $3  }
0xc0: {  	[dreg:$0x1] =	wrdreg $0xFFFFFFFF  }
0xc1: {  	_ =	task.clear_ibuf [dreg:s6], $0x2FFFF;
	_ =	strace $0x9FFFFFFF  }
0xc2: {  	(tm) =	ssettm $0x7FFFFFFF  }
0xc3: {  	_ =	shalt  }
tec
execute0_lowered:
.L_overlay_start_1:
0x0: {  	(tag) =	ssettag $0x1  }
0x1: {  	s1 =	srdreg.scid  }
0x2: {  	s0 =	stileid.u32;
	s5 =	rddreg [dreg:$0x0]  }
0x3: {  	s2 =	rddreg [dreg:$0x1];
	s3 =	simm.s32 $0x0;
	s10 =	simm.s32 $0x4400  }
0x4: {  	s11 =	simm.s32 $0x1;
	s12 =	simm.s32 $0x6B80;
	s13 =	simm.s32 $0x6F80  }
0x5: {  	s14 =	simm.s32 $0x0;
	s4 =	sand.u32 $0x1, s1;
	s25 =	sshrl.u32 s0, $0x3  }
0x6: {  	s1 =	rddreg [dreg:$0x2];
	s8 =	sshll.u32 s0, $0x7;
	s6 =	smul.u32 $0x27800, s4  }
0x7: {  	[smem:$0x7FF] =	sst s3;
	s30 =	sshll.u32 s0, $0xA;
	s7 =	smul.u32 $0x13C00, s25  }
0x8: {  	s26 =	sand.u32 $0x380, s8;
	_ =	strace $0x80000047;
	s28 =	ssub.s32 $0x2, s4  }
0x9: {  	s8 =	sadd.s32 s8, s5;
	s9 =	sshll.u32 s4, $0xB;
	s6 =	sadd.s32 s6, s7  }
0xa: {  	v0 =	vlaneseq.u32;
	s29 =	sshrl.u32 s28, $0x1;
	s31 =	sadd.s32 s9, s8;
	s6 =	sor.u32 s26, s6  }
0xb: {  	v1 =	vimm.s32 $0x0;
	v9 =	vimm.s32 $0x1;
	v2 =	vor.u32 $0x10, v0;
	s8 =	simm.s32 $0x80;
	s7 =	ssub.s32 s28, s29;
	s6 =	sshrl.u32 s6, $0x3  }
0xc: {  	v3 =	vor.u32 $0x20, v0;
	v4 =	vor.u32 $0x30, v0;
	v5 =	vor.u32 $0x40, v0;
	s9 =	simm.s32 $0x400;
	s7 =	smax.u32 s7, $0x1;
	s6 =	sadd.s32 s6, s5  }
0xd: {  	v6 =	vor.u32 $0x50, v0;
	v7 =	vor.u32 $0x60, v0;
	v8 =	vor.u32 $0x70, v0;
	s5 =	sadd.s32 s30, s2;
	s4 =	sadd.s32 $0x1000, s6;
	s6 =	sadd.s32 $0xAE00, s31  }
.LBB2_1:
0xe: {  	s15 =	simm.s32 $0x0;
	s16 =	simm.s32 $0x200  }
.LBB2_2:
0xf: {  	p0 =	sne.s32 s16, $0xFE00;
	[tilespmem:s15+$0x470] =	vst v1  }
0x10: {  	[tilespmem:s15+$0x400] =	vst v1  }
0x11: {  	[tilespmem:s15+$0x410] =	vst v1  }
.Ltmp0:
0x12: {  	[tilespmem:s15+$0x420] =	vst v1;
	(pc) =	sbr.rel @p0 .LBB2_2-.Ltmp0, $4  }
0x13: {  	[tilespmem:s15+$0x430] =	vst v1  }
0x14: {  	[tilespmem:s15+$0x440] =	vst v1  }
0x15: {  	[tilespmem:s15+$0x450] =	vst v1  }
0x16: {  	[tilespmem:s15+$0x460] =	vst v1;
	s15 =	sshra.s32 s16, $0x2;
	s16 =	sadd.s32 $0x200, s16  }
0x17: {  	[tilespmem:s15+$0x470] =	vst v1  }
0x18: {  	[tilespmem:s15+$0x400] =	vst v1  }
0x19: {  	[tilespmem:s15+$0x410] =	vst v1  }
0x1a: {  	[tilespmem:s15+$0x420] =	vst v1  }
0x1b: {  	[tilespmem:s15+$0x430] =	vst v1  }
0x1c: {  	[tilespmem:s15+$0x440] =	vst v1  }
0x1d: {  	[tilespmem:s15+$0x450] =	vst v1  }
0x1e: {  	[tilespmem:s15+$0x460] =	vst v1  }
0x1f: {  	[tilespmem:$0x6B80] =	vst v1  }
0x20: {  	[tilespmem:$0x6B90] =	vst v1  }
0x21: {  	[tilespmem:$0x6BA0] =	vst v1  }
0x22: {  	[tilespmem:$0x6BB0] =	vst v1  }
0x23: {  	[tilespmem:$0x6BC0] =	vst v1  }
0x24: {  	[tilespmem:$0x6BD0] =	vst v1  }
0x25: {  	[tilespmem:$0x6BE0] =	vst v1  }
0x26: {  	[tilespmem:$0x6BF0] =	vst v1  }
0x27: {  	[tilespmem:$0x6C00] =	vst v1  }
0x28: {  	[tilespmem:$0x6C10] =	vst v1  }
0x29: {  	[tilespmem:$0x6C20] =	vst v1  }
0x2a: {  	[tilespmem:$0x6C30] =	vst v1  }
0x2b: {  	[tilespmem:$0x6C40] =	vst v1  }
0x2c: {  	[tilespmem:$0x6C50] =	vst v1  }
0x2d: {  	[tilespmem:$0x6C60] =	vst v1  }
0x2e: {  	[tilespmem:$0x6C70] =	vst v1  }
0x2f: {  	[tilespmem:$0x6C80] =	vst v1  }
0x30: {  	[tilespmem:$0x6C90] =	vst v1  }
0x31: {  	[tilespmem:$0x6CA0] =	vst v1  }
0x32: {  	[tilespmem:$0x6CB0] =	vst v1  }
0x33: {  	[tilespmem:$0x6CC0] =	vst v1  }
0x34: {  	[tilespmem:$0x6CD0] =	vst v1  }
0x35: {  	[tilespmem:$0x6CE0] =	vst v1  }
0x36: {  	[tilespmem:$0x6CF0] =	vst v1  }
0x37: {  	[tilespmem:$0x6D00] =	vst v1  }
0x38: {  	[tilespmem:$0x6D10] =	vst v1  }
0x39: {  	[tilespmem:$0x6D20] =	vst v1  }
0x3a: {  	[tilespmem:$0x6D30] =	vst v1  }
0x3b: {  	[tilespmem:$0x6D40] =	vst v1  }
0x3c: {  	[tilespmem:$0x6D50] =	vst v1  }
0x3d: {  	[tilespmem:$0x6D60] =	vst v1  }
0x3e: {  	[tilespmem:$0x6D70] =	vst v1  }
0x3f: {  	[tilespmem:$0x6D80] =	vst v1  }
0x40: {  	[tilespmem:$0x6D90] =	vst v1  }
0x41: {  	[tilespmem:$0x6DA0] =	vst v1  }
0x42: {  	[tilespmem:$0x6DB0] =	vst v1  }
0x43: {  	[tilespmem:$0x6DC0] =	vst v1  }
0x44: {  	[tilespmem:$0x6DD0] =	vst v1  }
0x45: {  	[tilespmem:$0x6DE0] =	vst v1  }
0x46: {  	[tilespmem:$0x6DF0] =	vst v1  }
0x47: {  	[tilespmem:$0x6E00] =	vst v1  }
0x48: {  	[tilespmem:$0x6E10] =	vst v1  }
0x49: {  	[tilespmem:$0x6E20] =	vst v1  }
0x4a: {  	[tilespmem:$0x6E30] =	vst v1  }
0x4b: {  	[tilespmem:$0x6E40] =	vst v1  }
0x4c: {  	[tilespmem:$0x6E50] =	vst v1  }
0x4d: {  	[tilespmem:$0x6E60] =	vst v1  }
0x4e: {  	[tilespmem:$0x6E70] =	vst v1  }
0x4f: {  	[tilespmem:$0x6E80] =	vst v1  }
0x50: {  	[tilespmem:$0x6E90] =	vst v1  }
0x51: {  	[tilespmem:$0x6EA0] =	vst v1  }
0x52: {  	[tilespmem:$0x6EB0] =	vst v1  }
0x53: {  	[tilespmem:$0x6EC0] =	vst v1  }
0x54: {  	[tilespmem:$0x6ED0] =	vst v1  }
0x55: {  	[tilespmem:$0x6EE0] =	vst v1  }
0x56: {  	[tilespmem:$0x6EF0] =	vst v1  }
0x57: {  	[tilespmem:$0x6F00] =	vst v1  }
0x58: {  	[tilespmem:$0x6F10] =	vst v1  }
0x59: {  	[tilespmem:$0x6F20] =	vst v1  }
0x5a: {  	[tilespmem:$0x6F30] =	vst v1  }
0x5b: {  	[tilespmem:$0x6F40] =	vst v1  }
0x5c: {  	[tilespmem:$0x6F50] =	vst v1  }
0x5d: {  	[tilespmem:$0x6F60] =	vst v1  }
0x5e: {  	[tilespmem:$0x6F70] =	vst v1  }
0x5f: {  	[tilespmem:$0x6F80] =	vst v0  }
0x60: {  	[tilespmem:$0x6F90] =	vst v2  }
0x61: {  	[tilespmem:$0x6FA0] =	vst v3  }
0x62: {  	[tilespmem:$0x6FB0] =	vst v4  }
0x63: {  	[tilespmem:$0x6FC0] =	vst v5  }
0x64: {  	[tilespmem:$0x6FD0] =	vst v6  }
0x65: {  	[tilespmem:$0x6FE0] =	vst v7  }
0x66: {  	[tilespmem:$0x6FF0] =	vst v8  }
0x67: {  	[tilespmem:s10], [sflag:$0x1] =	stream.strided.gather [hbm4b:s4+s8], $0x2780, s9, s8, $0x38;
	[tilespmem:$0x7000] =	vst v63  }
0x68: {  	_ =	swait.ge [sflag:s11], $0x2780  }
0x69: {  	[sflag:s11] =	ssyncset.done $0x0  }
0x6a: {  	[sflag:s11] =	ssyncadd.s32 $0xFFFFD880  }
0x6b: {  	[spmem:s5] =	stream.linear.scatter [tilespmem:s12], [sflag:$0x1], $0x400, $0x38;
	[tilespmem:$0x7000] =	vst v63  }
0x6c: {  	_ =	swait.ge [sflag:s11], $0x400  }
0x6d: {  	[sflag:s11] =	ssyncset.done $0x0  }
0x6e: {  	s16 =	simm.s32 $0x0;
	[sflag:s11] =	ssyncadd.s32 $0xFFFFFC00  }
0x6f: {  	s15 =	simm.s32 $0x80;
	v10 =	vld [tilespmem:s16+$0x4400]  }
.LBB2_4:
0x70: {  	p0 =	sne.s32 s15, $0x9B80;
	v11 =	vld [tilespmem:s16+$0x4410];
	_ =	sdelay $0x4  }
.Ltmp1:
0x71: {  	(pc) =	sbr.rel @p0 .LBB2_4-.Ltmp1, $4  }
0x72: {  	_ = 	snop  }
0x73: {  	[tilespmem:v10+s9+$0x0] =	vst.idx.add.s32.msk $0xffff, v9  }
0x74: {  	s16 =	sshra.s32 s15, $0x2;
	[tilespmem:v11+s9+$0x0] =	vst.idx.add.s32.msk $0xffff, v9  }
0x75: {  	s15 =	sadd.s32 $0x80, s15;
	v10 =	vld [tilespmem:s16+$0x4400]  }
0x76: {  	_ = 	snop  }
0x77: {  	v11 =	vld [tilespmem:s16+$0x4410];
	_ =	sdelay $0x6  }
0x78: {  	[tilespmem:v10+s9+$0x0] =	vst.idx.add.s32.msk $0xffff, v9  }
0x79: {  	[tilespmem:v11+s9+$0x0] =	vst.idx.add.s32.msk $0xffff, v9  }
0x7a: {  	v10 =	vld [tilespmem:$0x6B00];
	_ =	sdelay $0x7  }
0x7b: {  	[tilespmem:v10+s9+$0x0] =	vst.idx.add.s32.msk $0xffff, v9  }
0x7c: {  	[bflag:$0x0] =	sbarrier.arrive $0xFFFF  }
0x7d: {  	[spmem:s2] =	stream.indirect.scatter.add.s32 [tilespmem:s9], [sflag:$0x1], $0x80, s13, s8, $0xb8;
	[tilespmem:$0x7000] =	vst v63  }
0x7e: {  	_ =	swait.ge [sflag:s11], $0x4000  }
0x7f: {  	[sflag:s11] =	ssyncset.done $0x0  }
0x80: {  	[sflag:s11] =	ssyncadd.s32 $0xFFFFC000  }
0x81: {  	[bflag:$0x0] =	sbarrier.arrive $0xFFFF  }
0x82: {  	[tilespmem:s12], [sflag:$0x1] =	stream.linear.gather [spmem:s5], $0x400, $0x38;
	[tilespmem:$0x7000] =	vst v63  }
0x83: {  	s14 =	sadd.s32 $0x1, s14;
	_ =	swait.ge [sflag:s11], $0x400  }
0x84: {  	p0 =	sne.s32 s14, s7;
	[sflag:s11] =	ssyncset.done $0x0  }
.Ltmp2:
0x85: {  	[sflag:s11] =	ssyncadd.s32 $0xFFFFFC00;
	(pc) =	sbr.rel @p0 .LBB2_1-.Ltmp2, $4  }
0x86: {  	[hbm4b:s6+s3] =	stream.linear.scatter [tilespmem:s12], [sflag:$0x1], $0x400, $0x38;
	[tilespmem:$0x7000] =	vst v63  }
0x87: {  	_ =	swait.ge [sflag:s11], $0x400  }
0x88: {  	[sflag:s11] =	ssyncset.done $0x0  }
0x89: {  	[sflag:s11] =	ssyncadd.s32 $0xFFFFFC00  }
0x8a: {  	_ =	sfence.sel $0x180000  }
0x8b: {  	[bflag:$0x0] =	sbarrier.arrive $0xFFFF  }
0x8c: {  	p0 =	sne.s32 s0, $0x0;
	_ =	strace $0x90000047  }
0x8d: {  	s0 =	sadd.s32 @!p0 $0x100000, s1;
	[bflag:$0x2] =	sbarrier.arrive $0xFFFF  }
0x8e: {  	[sflag:s0] =	ssyncadd.tile.s32 @!p0 $0x1;
	_ =	shalt  }
.Lfunc_end2:
_tile_overlayer_lowered:
.L_overlay_start_2:
0x8f: {  	(tag) =	ssettag $0x2  }
0x90: {  	s0 =	rddreg [dreg:$0x0];
	s2 =	stileid.u32  }
0x91: {  	s1 =	rddreg [dreg:$0x1];
	p0 =	sne.s32 s2, $0x0  }
0x92: {  	s3 =	rddreg [dreg:$0x2];
	[bflag:$0x3] =	sbarrier.arrive $0xFFFF;
	s2 =	simm.s32 @!p0 $0x1C01  }
0x93: {  	[timem:s3], [sflag:s2] =	dma.local @!p0 [hbm:s0], s1  }
0x94: {  	s0 =	simm.s32 @!p0 $0x1  }
0x95: {  	_ =	swait.ge @!p0 [sflag:s0], s1  }
0x96: {  	s1 =	ssub.s32 @!p0 $0x0, s1;
	[sflag:s0] =	ssyncset.done @!p0 $0x0  }
0x97: {  	[sflag:s0] =	ssyncadd.s32 @!p0 s1  }
0x98: {  	[bflag:$0x3] =	sbarrier.arrive $0xFFFF  }
0x99: {  	_ =	shalt  }

</sc_bundles>
